<compile_context>
chip_gen: v7x
topology: tpu7x:2x2x1
jax: 0.10.2.dev20260603
libtpu: 0.0.44.dev20260713+nightly
codegen_flags: <defaults>
</compile_context>

<pallas_src>
import functools

import jax
import jax.numpy as jnp
from jax import lax
from jax.experimental import pallas as pl
from jax.experimental.pallas import tpu as pltpu
from jax.experimental.pallas import tpu_sc as plsc

NUM_CORES = 2
NUM_SUBCORES = 16
LANES = 16
NW = NUM_CORES * NUM_SUBCORES

B = 16384
D = 32
BPW = B // NW
CHUNK = 128
NCHUNK = BPW // CHUNK
NGROUP = BPW // LANES


def _body(ue_hbm, ie_hbm, uidx_hbm, iidx_hbm, ubias_hbm, ibias_hbm,
          gbias_hbm, out_hbm,
          idx_u, idx_i, urows, irows, ubv, ibv, gbv, part, outv, sem):
    wid = lax.axis_index("s") * NUM_CORES + lax.axis_index("c")
    base = wid * BPW

    pltpu.sync_copy(uidx_hbm.at[pl.ds(base, BPW)], idx_u)
    pltpu.sync_copy(iidx_hbm.at[pl.ds(base, BPW)], idx_i)
    pltpu.sync_copy(gbias_hbm, gbv.at[pl.ds(0, 1)])

    for c in range(NCHUNK):
        s = pl.ds(c * CHUNK, CHUNK)
        pltpu.async_copy(ue_hbm.at[idx_u.at[s]], urows.at[s], sem).wait()
        pltpu.async_copy(ie_hbm.at[idx_i.at[s]], irows.at[s], sem).wait()
        pltpu.async_copy(ubias_hbm.at[idx_u.at[s]], ubv.at[s], sem).wait()
        pltpu.async_copy(ibias_hbm.at[idx_i.at[s]], ibv.at[s], sem).wait()

    iota = lax.iota(jnp.int32, LANES)
    zeros = jnp.zeros((LANES,), jnp.int32)
    gb = plsc.load_gather(gbv, [zeros])

    def fold(p, _):
        u0 = urows[p, pl.ds(0, LANES)]
        u1 = urows[p, pl.ds(LANES, LANES)]
        i0 = irows[p, pl.ds(0, LANES)]
        i1 = irows[p, pl.ds(LANES, LANES)]
        part[p, pl.ds(0, LANES)] = u0 * i0 + u1 * i1
        return 0

    lax.fori_loop(0, BPW, fold, 0)

    def group(g, _):
        rows = g * LANES + iota
        acc = (plsc.load_gather(ubv, [rows, zeros]) +
               plsc.load_gather(ibv, [rows, zeros]) + gb)
        for k in range(LANES):
            cols = jnp.bitwise_and(iota + k, LANES - 1)
            acc = acc + plsc.load_gather(part, [rows, cols])
        outv[pl.ds(g * LANES, LANES)] = acc
        return 0

    lax.fori_loop(0, NGROUP, group, 0)
    pltpu.sync_copy(outv, out_hbm.at[pl.ds(base, BPW)])


@jax.jit
def _run(ue, ie, user_idx, item_idx, user_bias, item_bias, global_bias):
    mesh = plsc.VectorSubcoreMesh(
        core_axis_name="c", subcore_axis_name="s",
        num_cores=NUM_CORES, num_subcores=NUM_SUBCORES)
    f = functools.partial(
        pl.kernel,
        out_type=jax.ShapeDtypeStruct((B,), jnp.float32),
        mesh=mesh,
        compiler_params=pltpu.CompilerParams(
            needs_layout_passes=False, use_tc_tiling_on_sc=False),
        scratch_types=[
            pltpu.VMEM((BPW,), jnp.int32),
            pltpu.VMEM((BPW,), jnp.int32),
            pltpu.VMEM((BPW, D), jnp.float32),
            pltpu.VMEM((BPW, D), jnp.float32),
            pltpu.VMEM((BPW, 1), jnp.float32),
            pltpu.VMEM((BPW, 1), jnp.float32),
            pltpu.VMEM((LANES,), jnp.float32),
            pltpu.VMEM((BPW, LANES), jnp.float32),
            pltpu.VMEM((BPW,), jnp.float32),
            pltpu.SemaphoreType.DMA,
        ],
    )(_body)
    return f(ue, ie, user_idx, item_idx, user_bias, item_bias, global_bias)


def kernel(user_idx, item_idx, user_embeddings, item_embeddings,
           user_bias, item_bias, global_bias):
    return _run(user_embeddings, item_embeddings,
                user_idx.astype(jnp.int32), item_idx.astype(jnp.int32),
                user_bias, item_bias, global_bias)

# --- scband reference (transcript-rebuilt; emitter-appended) ---
"""Pipeline reference for scband-matrix-factorization-88338887344225 (READ-ONLY COPY).

The authoritative reference and input builder live on the scoring server;
editing this copy changes nothing except your own understanding.
"""

import jax, jax.numpy as jnp
import numpy as np

NUM_USERS = 1000000
NUM_ITEMS = 1000000
EMBED_DIM = 32
BATCH = 16384

def setup_inputs(seed: int = 0) -> dict:
    key = jax.random.key(seed)
    k1, k2, k3, k4 = jax.random.split(key, 4)
    user_idx = jax.random.randint(k1, (BATCH,), 0, NUM_USERS, dtype=jnp.int64) if jax.config.jax_enable_x64 else jax.random.randint(k1, (BATCH,), 0, NUM_USERS, dtype=jnp.int32)
    item_idx = jax.random.randint(k2, (BATCH,), 0, NUM_ITEMS, dtype=jnp.int64) if jax.config.jax_enable_x64 else jax.random.randint(k2, (BATCH,), 0, NUM_ITEMS, dtype=jnp.int32)
    # Xavier uniform init: bound = sqrt(6 / (fan_in + fan_out))
    bound_u = float(np.sqrt(6.0 / (NUM_USERS + EMBED_DIM)))
    bound_i = float(np.sqrt(6.0 / (NUM_ITEMS + EMBED_DIM)))
    user_embeddings = jax.random.uniform(k3, (NUM_USERS, EMBED_DIM), dtype=jnp.float32, minval=-bound_u, maxval=bound_u)
    item_embeddings = jax.random.uniform(k4, (NUM_ITEMS, EMBED_DIM), dtype=jnp.float32, minval=-bound_i, maxval=bound_i)
    user_bias = jnp.zeros((NUM_USERS, 1), dtype=jnp.float32)
    item_bias = jnp.zeros((NUM_ITEMS, 1), dtype=jnp.float32)
    global_bias = jnp.zeros((1,), dtype=jnp.float32)
    return {
        "user_idx": user_idx,
        "item_idx": item_idx,
        "user_embeddings": user_embeddings,
        "item_embeddings": item_embeddings,
        "user_bias": user_bias,
        "item_bias": item_bias,
        "global_bias": global_bias,
    }

def reference(user_idx, item_idx, user_embeddings, item_embeddings, user_bias, item_bias, global_bias):
    user_vec = jnp.take(user_embeddings, user_idx, axis=0)  # [B, D]
    item_vec = jnp.take(item_embeddings, item_idx, axis=0)  # [B, D]
    dot = jnp.sum(user_vec * item_vec, axis=1)              # [B]
    user_b = jnp.take(user_bias, user_idx, axis=0).squeeze(-1)  # [B]
    item_b = jnp.take(item_bias, item_idx, axis=0).squeeze(-1)  # [B]
    predictions = dot + user_b + item_b + global_bias
    # use_sigmoid=False, so no activation
    return predictions

if __name__ == "__main__":
    import jax
    _d = setup_inputs()
    print(jax.jit(kernel)(*tuple(_d.values())))

</pallas_src>

<mosaic_0001>
#map = affine_map<(d0, d1) -> (0, 0)>
#map1 = affine_map<(d0, d1) -> (0)>
module attributes {stable_mosaic.version = 14 : i64} {
  func.func @_body(%arg0: i32, %arg1: i32, %arg2: memref<1000000x32xf32, #tpu.memory_space<hbm>>, %arg3: memref<1000000x32xf32, #tpu.memory_space<hbm>>, %arg4: memref<16384xi32, #tpu.memory_space<hbm>>, %arg5: memref<16384xi32, #tpu.memory_space<hbm>>, %arg6: memref<1000000x1xf32, #tpu.memory_space<hbm>>, %arg7: memref<1000000x1xf32, #tpu.memory_space<hbm>>, %arg8: memref<1xf32, #tpu.memory_space<hbm>>, %arg9: memref<16384xf32, #tpu.memory_space<hbm>>, %arg10: memref<512xi32, #tpu.memory_space<vmem>>, %arg11: memref<512xi32, #tpu.memory_space<vmem>>, %arg12: memref<512x32xf32, #tpu.memory_space<vmem>>, %arg13: memref<512x32xf32, #tpu.memory_space<vmem>>, %arg14: memref<512x1xf32, #tpu.memory_space<vmem>>, %arg15: memref<512x1xf32, #tpu.memory_space<vmem>>, %arg16: memref<16xf32, #tpu.memory_space<vmem>>, %arg17: memref<512x16xf32, #tpu.memory_space<vmem>>, %arg18: memref<512xf32, #tpu.memory_space<vmem>>, %arg19: memref<!tpu.dma_semaphore, #tpu.memory_space<semaphore_mem>>) attributes {dimension_semantics = [#tpu.dimension_semantics<core_parallel>, #tpu.dimension_semantics<subcore_parallel>], iteration_bounds = array<i64: 2, 16>, scalar_prefetch = 0 : i64, scratch_operands = 10 : i64, tpu.core_type = #tpu.core_type<sc_vector_subcore>, window_params = [{transform_indices = #map}, {transform_indices = #map}, {transform_indices = #map1}, {transform_indices = #map1}, {transform_indices = #map}, {transform_indices = #map}, {transform_indices = #map1}, {transform_indices = #map1}]} {
    %mul3A = arith.constant 2 : i32
    %mul3A_0 = arith.muli %arg1, %mul3A : i32
    %add3A = arith.addi %mul3A_0, %arg0 : i32
    %mul3A_1 = arith.constant 512 : i32
    %mul3A_2 = arith.muli %add3A, %mul3A_1 : i32
    "tpu.region"() ({
      %run_scoped3A = tpu.sem_alloc : memref<!tpu.dma_semaphore, #tpu.memory_space<semaphore_mem>>
      %dma_start3A_271 = tpu.memref_slice %arg4[%mul3A_2] : memref<16384xi32, #tpu.memory_space<hbm>> -> memref<512xi32, #tpu.memory_space<hbm>>
      %dma_start3A_272 = tpu.memref_slice %arg4[%mul3A_2] : memref<16384xi32, #tpu.memory_space<hbm>> -> memref<512xi32, #tpu.memory_space<hbm>>
      tpu.enqueue_dma source(%dma_start3A_272 : memref<512xi32, #tpu.memory_space<hbm>>) target(%arg10 : memref<512xi32, #tpu.memory_space<vmem>>) target_semaphore(%run_scoped3A : memref<!tpu.dma_semaphore, #tpu.memory_space<semaphore_mem>>)
      %dma_wait3A_273 = tpu.memref_slice %arg4[%mul3A_2] : memref<16384xi32, #tpu.memory_space<hbm>> -> memref<512xi32, #tpu.memory_space<hbm>>
      %dma_wait3A_274 = tpu.memref_slice %arg4[%mul3A_2] : memref<16384xi32, #tpu.memory_space<hbm>> -> memref<512xi32, #tpu.memory_space<hbm>>
      tpu.wait_dma2 semaphore(%run_scoped3A : memref<!tpu.dma_semaphore, #tpu.memory_space<semaphore_mem>>) src(%dma_wait3A_274 : memref<512xi32, #tpu.memory_space<hbm>>) dst(%arg10 : memref<512xi32, #tpu.memory_space<vmem>>)
      tpu.yield
    }) : () -> ()
    "tpu.region"() ({
      %run_scoped3A = tpu.sem_alloc : memref<!tpu.dma_semaphore, #tpu.memory_space<semaphore_mem>>
      %dma_start3A_271 = tpu.memref_slice %arg5[%mul3A_2] : memref<16384xi32, #tpu.memory_space<hbm>> -> memref<512xi32, #tpu.memory_space<hbm>>
      %dma_start3A_272 = tpu.memref_slice %arg5[%mul3A_2] : memref<16384xi32, #tpu.memory_space<hbm>> -> memref<512xi32, #tpu.memory_space<hbm>>
      tpu.enqueue_dma source(%dma_start3A_272 : memref<512xi32, #tpu.memory_space<hbm>>) target(%arg11 : memref<512xi32, #tpu.memory_space<vmem>>) target_semaphore(%run_scoped3A : memref<!tpu.dma_semaphore, #tpu.memory_space<semaphore_mem>>)
      %dma_wait3A_273 = tpu.memref_slice %arg5[%mul3A_2] : memref<16384xi32, #tpu.memory_space<hbm>> -> memref<512xi32, #tpu.memory_space<hbm>>
      %dma_wait3A_274 = tpu.memref_slice %arg5[%mul3A_2] : memref<16384xi32, #tpu.memory_space<hbm>> -> memref<512xi32, #tpu.memory_space<hbm>>
      tpu.wait_dma2 semaphore(%run_scoped3A : memref<!tpu.dma_semaphore, #tpu.memory_space<semaphore_mem>>) src(%dma_wait3A_274 : memref<512xi32, #tpu.memory_space<hbm>>) dst(%arg11 : memref<512xi32, #tpu.memory_space<vmem>>)
      tpu.yield
    }) : () -> ()
    "tpu.region"() ({
      %run_scoped3A = tpu.sem_alloc : memref<!tpu.dma_semaphore, #tpu.memory_space<semaphore_mem>>
      %dma_start3A_271 = arith.constant 0 : i32
      %dma_start3A_272 = tpu.memref_slice %arg16[%dma_start3A_271] : memref<16xf32, #tpu.memory_space<vmem>> -> memref<1xf32, #tpu.memory_space<vmem>>
      %dma_start3A_273 = arith.constant 0 : i32
      %dma_start3A_274 = tpu.memref_slice %arg16[%dma_start3A_273] : memref<16xf32, #tpu.memory_space<vmem>> -> memref<1xf32, #tpu.memory_space<vmem>>
      tpu.enqueue_dma source(%arg8 : memref<1xf32, #tpu.memory_space<hbm>>) target(%dma_start3A_274 : memref<1xf32, #tpu.memory_space<vmem>>) target_semaphore(%run_scoped3A : memref<!tpu.dma_semaphore, #tpu.memory_space<semaphore_mem>>)
      %dma_wait3A_275 = arith.constant 0 : i32
      %dma_wait3A_276 = tpu.memref_slice %arg16[%dma_wait3A_275] : memref<16xf32, #tpu.memory_space<vmem>> -> memref<1xf32, #tpu.memory_space<vmem>>
      %dma_wait3A_277 = arith.constant 0 : i32
      %dma_wait3A_278 = tpu.memref_slice %arg16[%dma_wait3A_277] : memref<16xf32, #tpu.memory_space<vmem>> -> memref<1xf32, #tpu.memory_space<vmem>>
      tpu.wait_dma2 semaphore(%run_scoped3A : memref<!tpu.dma_semaphore, #tpu.memory_space<semaphore_mem>>) src(%arg8 : memref<1xf32, #tpu.memory_space<hbm>>) dst(%dma_wait3A_278 : memref<1xf32, #tpu.memory_space<vmem>>)
      tpu.yield
    }) : () -> ()
    %dma_start3A = arith.constant 0 : i32
    %dma_start3A_3 = arith.constant 0 : i32
    %dma_start3A_4 = tpu.memref_slice %arg12[%dma_start3A, %dma_start3A_3] : memref<512x32xf32, #tpu.memory_space<vmem>> -> memref<128x32xf32, #tpu.memory_space<vmem>>
    %dma_start3A_5 = arith.constant 0 : i32
    %dma_start3A_6 = tpu.memref_slice %arg10[%dma_start3A_5] : memref<512xi32, #tpu.memory_space<vmem>> -> memref<128xi32, #tpu.memory_space<vmem>>
    %dma_start3A_7 = arith.constant 0 : i32
    %dma_start3A_8 = arith.constant 0 : i32
    %dma_start3A_9 = tpu.memref_slice %arg2[%dma_start3A_7, %dma_start3A_8] : memref<1000000x32xf32, #tpu.memory_space<hbm>> -> memref<1000000x32xf32, #tpu.memory_space<hbm>>
    tpu.enqueue_indirect_dma source(%dma_start3A_9 : memref<1000000x32xf32, #tpu.memory_space<hbm>>) target(%dma_start3A_4 : memref<128x32xf32, #tpu.memory_space<vmem>>) offsets(%dma_start3A_6 : memref<128xi32, #tpu.memory_space<vmem>>) semaphore(%arg19 : memref<!tpu.dma_semaphore, #tpu.memory_space<semaphore_mem>>)
    %dma_wait3A = arith.constant 0 : i32
    %dma_wait3A_10 = arith.constant 0 : i32
    %dma_wait3A_11 = tpu.memref_slice %arg12[%dma_wait3A, %dma_wait3A_10] : memref<512x32xf32, #tpu.memory_space<vmem>> -> memref<128x32xf32, #tpu.memory_space<vmem>>
    %dma_wait3A_12 = arith.constant 0 : i32
    %dma_wait3A_13 = tpu.memref_slice %arg10[%dma_wait3A_12] : memref<512xi32, #tpu.memory_space<vmem>> -> memref<128xi32, #tpu.memory_space<vmem>>
    %dma_wait3A_14 = arith.constant 0 : i32
    %dma_wait3A_15 = arith.constant 0 : i32
    %dma_wait3A_16 = tpu.memref_slice %arg2[%dma_wait3A_14, %dma_wait3A_15] : memref<1000000x32xf32, #tpu.memory_space<hbm>> -> memref<1000000x32xf32, #tpu.memory_space<hbm>>
    tpu.wait_indirect_dma semaphore(%arg19 : memref<!tpu.dma_semaphore, #tpu.memory_space<semaphore_mem>>) src(%dma_wait3A_16 : memref<1000000x32xf32, #tpu.memory_space<hbm>>) dst(%dma_wait3A_11 : memref<128x32xf32, #tpu.memory_space<vmem>>)
    %dma_start3A_17 = arith.constant 0 : i32
    %dma_start3A_18 = arith.constant 0 : i32
    %dma_start3A_19 = tpu.memref_slice %arg13[%dma_start3A_17, %dma_start3A_18] : memref<512x32xf32, #tpu.memory_space<vmem>> -> memref<128x32xf32, #tpu.memory_space<vmem>>
    %dma_start3A_20 = arith.constant 0 : i32
    %dma_start3A_21 = tpu.memref_slice %arg11[%dma_start3A_20] : memref<512xi32, #tpu.memory_space<vmem>> -> memref<128xi32, #tpu.memory_space<vmem>>
    %dma_start3A_22 = arith.constant 0 : i32
    %dma_start3A_23 = arith.constant 0 : i32
    %dma_start3A_24 = tpu.memref_slice %arg3[%dma_start3A_22, %dma_start3A_23] : memref<1000000x32xf32, #tpu.memory_space<hbm>> -> memref<1000000x32xf32, #tpu.memory_space<hbm>>
    tpu.enqueue_indirect_dma source(%dma_start3A_24 : memref<1000000x32xf32, #tpu.memory_space<hbm>>) target(%dma_start3A_19 : memref<128x32xf32, #tpu.memory_space<vmem>>) offsets(%dma_start3A_21 : memref<128xi32, #tpu.memory_space<vmem>>) semaphore(%arg19 : memref<!tpu.dma_semaphore, #tpu.memory_space<semaphore_mem>>)
    %dma_wait3A_25 = arith.constant 0 : i32
    %dma_wait3A_26 = arith.constant 0 : i32
    %dma_wait3A_27 = tpu.memref_slice %arg13[%dma_wait3A_25, %dma_wait3A_26] : memref<512x32xf32, #tpu.memory_space<vmem>> -> memref<128x32xf32, #tpu.memory_space<vmem>>
    %dma_wait3A_28 = arith.constant 0 : i32
    %dma_wait3A_29 = tpu.memref_slice %arg11[%dma_wait3A_28] : memref<512xi32, #tpu.memory_space<vmem>> -> memref<128xi32, #tpu.memory_space<vmem>>
    %dma_wait3A_30 = arith.constant 0 : i32
    %dma_wait3A_31 = arith.constant 0 : i32
    %dma_wait3A_32 = tpu.memref_slice %arg3[%dma_wait3A_30, %dma_wait3A_31] : memref<1000000x32xf32, #tpu.memory_space<hbm>> -> memref<1000000x32xf32, #tpu.memory_space<hbm>>
    tpu.wait_indirect_dma semaphore(%arg19 : memref<!tpu.dma_semaphore, #tpu.memory_space<semaphore_mem>>) src(%dma_wait3A_32 : memref<1000000x32xf32, #tpu.memory_space<hbm>>) dst(%dma_wait3A_27 : memref<128x32xf32, #tpu.memory_space<vmem>>)
    %dma_start3A_33 = arith.constant 0 : i32
    %dma_start3A_34 = arith.constant 0 : i32
    %dma_start3A_35 = tpu.memref_slice %arg14[%dma_start3A_33, %dma_start3A_34] : memref<512x1xf32, #tpu.memory_space<vmem>> -> memref<128x1xf32, #tpu.memory_space<vmem>>
    %dma_start3A_36 = arith.constant 0 : i32
    %dma_start3A_37 = tpu.memref_slice %arg10[%dma_start3A_36] : memref<512xi32, #tpu.memory_space<vmem>> -> memref<128xi32, #tpu.memory_space<vmem>>
    %dma_start3A_38 = arith.constant 0 : i32
    %dma_start3A_39 = arith.constant 0 : i32
    %dma_start3A_40 = tpu.memref_slice %arg6[%dma_start3A_38, %dma_start3A_39] : memref<1000000x1xf32, #tpu.memory_space<hbm>> -> memref<1000000x1xf32, #tpu.memory_space<hbm>>
    tpu.enqueue_indirect_dma source(%dma_start3A_40 : memref<1000000x1xf32, #tpu.memory_space<hbm>>) target(%dma_start3A_35 : memref<128x1xf32, #tpu.memory_space<vmem>>) offsets(%dma_start3A_37 : memref<128xi32, #tpu.memory_space<vmem>>) semaphore(%arg19 : memref<!tpu.dma_semaphore, #tpu.memory_space<semaphore_mem>>)
    %dma_wait3A_41 = arith.constant 0 : i32
    %dma_wait3A_42 = arith.constant 0 : i32
    %dma_wait3A_43 = tpu.memref_slice %arg14[%dma_wait3A_41, %dma_wait3A_42] : memref<512x1xf32, #tpu.memory_space<vmem>> -> memref<128x1xf32, #tpu.memory_space<vmem>>
    %dma_wait3A_44 = arith.constant 0 : i32
    %dma_wait3A_45 = tpu.memref_slice %arg10[%dma_wait3A_44] : memref<512xi32, #tpu.memory_space<vmem>> -> memref<128xi32, #tpu.memory_space<vmem>>
    %dma_wait3A_46 = arith.constant 0 : i32
    %dma_wait3A_47 = arith.constant 0 : i32
    %dma_wait3A_48 = tpu.memref_slice %arg6[%dma_wait3A_46, %dma_wait3A_47] : memref<1000000x1xf32, #tpu.memory_space<hbm>> -> memref<1000000x1xf32, #tpu.memory_space<hbm>>
    tpu.wait_indirect_dma semaphore(%arg19 : memref<!tpu.dma_semaphore, #tpu.memory_space<semaphore_mem>>) src(%dma_wait3A_48 : memref<1000000x1xf32, #tpu.memory_space<hbm>>) dst(%dma_wait3A_43 : memref<128x1xf32, #tpu.memory_space<vmem>>)
    %dma_start3A_49 = arith.constant 0 : i32
    %dma_start3A_50 = arith.constant 0 : i32
    %dma_start3A_51 = tpu.memref_slice %arg15[%dma_start3A_49, %dma_start3A_50] : memref<512x1xf32, #tpu.memory_space<vmem>> -> memref<128x1xf32, #tpu.memory_space<vmem>>
    %dma_start3A_52 = arith.constant 0 : i32
    %dma_start3A_53 = tpu.memref_slice %arg11[%dma_start3A_52] : memref<512xi32, #tpu.memory_space<vmem>> -> memref<128xi32, #tpu.memory_space<vmem>>
    %dma_start3A_54 = arith.constant 0 : i32
    %dma_start3A_55 = arith.constant 0 : i32
    %dma_start3A_56 = tpu.memref_slice %arg7[%dma_start3A_54, %dma_start3A_55] : memref<1000000x1xf32, #tpu.memory_space<hbm>> -> memref<1000000x1xf32, #tpu.memory_space<hbm>>
    tpu.enqueue_indirect_dma source(%dma_start3A_56 : memref<1000000x1xf32, #tpu.memory_space<hbm>>) target(%dma_start3A_51 : memref<128x1xf32, #tpu.memory_space<vmem>>) offsets(%dma_start3A_53 : memref<128xi32, #tpu.memory_space<vmem>>) semaphore(%arg19 : memref<!tpu.dma_semaphore, #tpu.memory_space<semaphore_mem>>)
    %dma_wait3A_57 = arith.constant 0 : i32
    %dma_wait3A_58 = arith.constant 0 : i32
    %dma_wait3A_59 = tpu.memref_slice %arg15[%dma_wait3A_57, %dma_wait3A_58] : memref<512x1xf32, #tpu.memory_space<vmem>> -> memref<128x1xf32, #tpu.memory_space<vmem>>
    %dma_wait3A_60 = arith.constant 0 : i32
    %dma_wait3A_61 = tpu.memref_slice %arg11[%dma_wait3A_60] : memref<512xi32, #tpu.memory_space<vmem>> -> memref<128xi32, #tpu.memory_space<vmem>>
    %dma_wait3A_62 = arith.constant 0 : i32
    %dma_wait3A_63 = arith.constant 0 : i32
    %dma_wait3A_64 = tpu.memref_slice %arg7[%dma_wait3A_62, %dma_wait3A_63] : memref<1000000x1xf32, #tpu.memory_space<hbm>> -> memref<1000000x1xf32, #tpu.memory_space<hbm>>
    tpu.wait_indirect_dma semaphore(%arg19 : memref<!tpu.dma_semaphore, #tpu.memory_space<semaphore_mem>>) src(%dma_wait3A_64 : memref<1000000x1xf32, #tpu.memory_space<hbm>>) dst(%dma_wait3A_59 : memref<128x1xf32, #tpu.memory_space<vmem>>)
    %dma_start3A_65 = arith.constant 128 : i32
    %dma_start3A_66 = arith.constant 0 : i32
    %dma_start3A_67 = tpu.memref_slice %arg12[%dma_start3A_65, %dma_start3A_66] : memref<512x32xf32, #tpu.memory_space<vmem>> -> memref<128x32xf32, #tpu.memory_space<vmem>>
    %dma_start3A_68 = arith.constant 128 : i32
    %dma_start3A_69 = tpu.memref_slice %arg10[%dma_start3A_68] : memref<512xi32, #tpu.memory_space<vmem>> -> memref<128xi32, #tpu.memory_space<vmem>>
    %dma_start3A_70 = arith.constant 0 : i32
    %dma_start3A_71 = arith.constant 0 : i32
    %dma_start3A_72 = tpu.memref_slice %arg2[%dma_start3A_70, %dma_start3A_71] : memref<1000000x32xf32, #tpu.memory_space<hbm>> -> memref<1000000x32xf32, #tpu.memory_space<hbm>>
    tpu.enqueue_indirect_dma source(%dma_start3A_72 : memref<1000000x32xf32, #tpu.memory_space<hbm>>) target(%dma_start3A_67 : memref<128x32xf32, #tpu.memory_space<vmem>>) offsets(%dma_start3A_69 : memref<128xi32, #tpu.memory_space<vmem>>) semaphore(%arg19 : memref<!tpu.dma_semaphore, #tpu.memory_space<semaphore_mem>>)
    %dma_wait3A_73 = arith.constant 128 : i32
    %dma_wait3A_74 = arith.constant 0 : i32
    %dma_wait3A_75 = tpu.memref_slice %arg12[%dma_wait3A_73, %dma_wait3A_74] : memref<512x32xf32, #tpu.memory_space<vmem>> -> memref<128x32xf32, #tpu.memory_space<vmem>>
    %dma_wait3A_76 = arith.constant 128 : i32
    %dma_wait3A_77 = tpu.memref_slice %arg10[%dma_wait3A_76] : memref<512xi32, #tpu.memory_space<vmem>> -> memref<128xi32, #tpu.memory_space<vmem>>
    %dma_wait3A_78 = arith.constant 0 : i32
    %dma_wait3A_79 = arith.constant 0 : i32
    %dma_wait3A_80 = tpu.memref_slice %arg2[%dma_wait3A_78, %dma_wait3A_79] : memref<1000000x32xf32, #tpu.memory_space<hbm>> -> memref<1000000x32xf32, #tpu.memory_space<hbm>>
    tpu.wait_indirect_dma semaphore(%arg19 : memref<!tpu.dma_semaphore, #tpu.memory_space<semaphore_mem>>) src(%dma_wait3A_80 : memref<1000000x32xf32, #tpu.memory_space<hbm>>) dst(%dma_wait3A_75 : memref<128x32xf32, #tpu.memory_space<vmem>>)
    %dma_start3A_81 = arith.constant 128 : i32
    %dma_start3A_82 = arith.constant 0 : i32
    %dma_start3A_83 = tpu.memref_slice %arg13[%dma_start3A_81, %dma_start3A_82] : memref<512x32xf32, #tpu.memory_space<vmem>> -> memref<128x32xf32, #tpu.memory_space<vmem>>
    %dma_start3A_84 = arith.constant 128 : i32
    %dma_start3A_85 = tpu.memref_slice %arg11[%dma_start3A_84] : memref<512xi32, #tpu.memory_space<vmem>> -> memref<128xi32, #tpu.memory_space<vmem>>
    %dma_start3A_86 = arith.constant 0 : i32
    %dma_start3A_87 = arith.constant 0 : i32
    %dma_start3A_88 = tpu.memref_slice %arg3[%dma_start3A_86, %dma_start3A_87] : memref<1000000x32xf32, #tpu.memory_space<hbm>> -> memref<1000000x32xf32, #tpu.memory_space<hbm>>
    tpu.enqueue_indirect_dma source(%dma_start3A_88 : memref<1000000x32xf32, #tpu.memory_space<hbm>>) target(%dma_start3A_83 : memref<128x32xf32, #tpu.memory_space<vmem>>) offsets(%dma_start3A_85 : memref<128xi32, #tpu.memory_space<vmem>>) semaphore(%arg19 : memref<!tpu.dma_semaphore, #tpu.memory_space<semaphore_mem>>)
    %dma_wait3A_89 = arith.constant 128 : i32
    %dma_wait3A_90 = arith.constant 0 : i32
    %dma_wait3A_91 = tpu.memref_slice %arg13[%dma_wait3A_89, %dma_wait3A_90] : memref<512x32xf32, #tpu.memory_space<vmem>> -> memref<128x32xf32, #tpu.memory_space<vmem>>
    %dma_wait3A_92 = arith.constant 128 : i32
    %dma_wait3A_93 = tpu.memref_slice %arg11[%dma_wait3A_92] : memref<512xi32, #tpu.memory_space<vmem>> -> memref<128xi32, #tpu.memory_space<vmem>>
    %dma_wait3A_94 = arith.constant 0 : i32
    %dma_wait3A_95 = arith.constant 0 : i32
    %dma_wait3A_96 = tpu.memref_slice %arg3[%dma_wait3A_94, %dma_wait3A_95] : memref<1000000x32xf32, #tpu.memory_space<hbm>> -> memref<1000000x32xf32, #tpu.memory_space<hbm>>
    tpu.wait_indirect_dma semaphore(%arg19 : memref<!tpu.dma_semaphore, #tpu.memory_space<semaphore_mem>>) src(%dma_wait3A_96 : memref<1000000x32xf32, #tpu.memory_space<hbm>>) dst(%dma_wait3A_91 : memref<128x32xf32, #tpu.memory_space<vmem>>)
    %dma_start3A_97 = arith.constant 128 : i32
    %dma_start3A_98 = arith.constant 0 : i32
    %dma_start3A_99 = tpu.memref_slice %arg14[%dma_start3A_97, %dma_start3A_98] : memref<512x1xf32, #tpu.memory_space<vmem>> -> memref<128x1xf32, #tpu.memory_space<vmem>>
    %dma_start3A_100 = arith.constant 128 : i32
    %dma_start3A_101 = tpu.memref_slice %arg10[%dma_start3A_100] : memref<512xi32, #tpu.memory_space<vmem>> -> memref<128xi32, #tpu.memory_space<vmem>>
    %dma_start3A_102 = arith.constant 0 : i32
    %dma_start3A_103 = arith.constant 0 : i32
    %dma_start3A_104 = tpu.memref_slice %arg6[%dma_start3A_102, %dma_start3A_103] : memref<1000000x1xf32, #tpu.memory_space<hbm>> -> memref<1000000x1xf32, #tpu.memory_space<hbm>>
    tpu.enqueue_indirect_dma source(%dma_start3A_104 : memref<1000000x1xf32, #tpu.memory_space<hbm>>) target(%dma_start3A_99 : memref<128x1xf32, #tpu.memory_space<vmem>>) offsets(%dma_start3A_101 : memref<128xi32, #tpu.memory_space<vmem>>) semaphore(%arg19 : memref<!tpu.dma_semaphore, #tpu.memory_space<semaphore_mem>>)
    %dma_wait3A_105 = arith.constant 128 : i32
    %dma_wait3A_106 = arith.constant 0 : i32
    %dma_wait3A_107 = tpu.memref_slice %arg14[%dma_wait3A_105, %dma_wait3A_106] : memref<512x1xf32, #tpu.memory_space<vmem>> -> memref<128x1xf32, #tpu.memory_space<vmem>>
    %dma_wait3A_108 = arith.constant 128 : i32
    %dma_wait3A_109 = tpu.memref_slice %arg10[%dma_wait3A_108] : memref<512xi32, #tpu.memory_space<vmem>> -> memref<128xi32, #tpu.memory_space<vmem>>
    %dma_wait3A_110 = arith.constant 0 : i32
    %dma_wait3A_111 = arith.constant 0 : i32
    %dma_wait3A_112 = tpu.memref_slice %arg6[%dma_wait3A_110, %dma_wait3A_111] : memref<1000000x1xf32, #tpu.memory_space<hbm>> -> memref<1000000x1xf32, #tpu.memory_space<hbm>>
    tpu.wait_indirect_dma semaphore(%arg19 : memref<!tpu.dma_semaphore, #tpu.memory_space<semaphore_mem>>) src(%dma_wait3A_112 : memref<1000000x1xf32, #tpu.memory_space<hbm>>) dst(%dma_wait3A_107 : memref<128x1xf32, #tpu.memory_space<vmem>>)
    %dma_start3A_113 = arith.constant 128 : i32
    %dma_start3A_114 = arith.constant 0 : i32
    %dma_start3A_115 = tpu.memref_slice %arg15[%dma_start3A_113, %dma_start3A_114] : memref<512x1xf32, #tpu.memory_space<vmem>> -> memref<128x1xf32, #tpu.memory_space<vmem>>
    %dma_start3A_116 = arith.constant 128 : i32
    %dma_start3A_117 = tpu.memref_slice %arg11[%dma_start3A_116] : memref<512xi32, #tpu.memory_space<vmem>> -> memref<128xi32, #tpu.memory_space<vmem>>
    %dma_start3A_118 = arith.constant 0 : i32
    %dma_start3A_119 = arith.constant 0 : i32
    %dma_start3A_120 = tpu.memref_slice %arg7[%dma_start3A_118, %dma_start3A_119] : memref<1000000x1xf32, #tpu.memory_space<hbm>> -> memref<1000000x1xf32, #tpu.memory_space<hbm>>
    tpu.enqueue_indirect_dma source(%dma_start3A_120 : memref<1000000x1xf32, #tpu.memory_space<hbm>>) target(%dma_start3A_115 : memref<128x1xf32, #tpu.memory_space<vmem>>) offsets(%dma_start3A_117 : memref<128xi32, #tpu.memory_space<vmem>>) semaphore(%arg19 : memref<!tpu.dma_semaphore, #tpu.memory_space<semaphore_mem>>)
    %dma_wait3A_121 = arith.constant 128 : i32
    %dma_wait3A_122 = arith.constant 0 : i32
    %dma_wait3A_123 = tpu.memref_slice %arg15[%dma_wait3A_121, %dma_wait3A_122] : memref<512x1xf32, #tpu.memory_space<vmem>> -> memref<128x1xf32, #tpu.memory_space<vmem>>
    %dma_wait3A_124 = arith.constant 128 : i32
    %dma_wait3A_125 = tpu.memref_slice %arg11[%dma_wait3A_124] : memref<512xi32, #tpu.memory_space<vmem>> -> memref<128xi32, #tpu.memory_space<vmem>>
    %dma_wait3A_126 = arith.constant 0 : i32
    %dma_wait3A_127 = arith.constant 0 : i32
    %dma_wait3A_128 = tpu.memref_slice %arg7[%dma_wait3A_126, %dma_wait3A_127] : memref<1000000x1xf32, #tpu.memory_space<hbm>> -> memref<1000000x1xf32, #tpu.memory_space<hbm>>
    tpu.wait_indirect_dma semaphore(%arg19 : memref<!tpu.dma_semaphore, #tpu.memory_space<semaphore_mem>>) src(%dma_wait3A_128 : memref<1000000x1xf32, #tpu.memory_space<hbm>>) dst(%dma_wait3A_123 : memref<128x1xf32, #tpu.memory_space<vmem>>)
    %dma_start3A_129 = arith.constant 256 : i32
    %dma_start3A_130 = arith.constant 0 : i32
    %dma_start3A_131 = tpu.memref_slice %arg12[%dma_start3A_129, %dma_start3A_130] : memref<512x32xf32, #tpu.memory_space<vmem>> -> memref<128x32xf32, #tpu.memory_space<vmem>>
    %dma_start3A_132 = arith.constant 256 : i32
    %dma_start3A_133 = tpu.memref_slice %arg10[%dma_start3A_132] : memref<512xi32, #tpu.memory_space<vmem>> -> memref<128xi32, #tpu.memory_space<vmem>>
    %dma_start3A_134 = arith.constant 0 : i32
    %dma_start3A_135 = arith.constant 0 : i32
    %dma_start3A_136 = tpu.memref_slice %arg2[%dma_start3A_134, %dma_start3A_135] : memref<1000000x32xf32, #tpu.memory_space<hbm>> -> memref<1000000x32xf32, #tpu.memory_space<hbm>>
    tpu.enqueue_indirect_dma source(%dma_start3A_136 : memref<1000000x32xf32, #tpu.memory_space<hbm>>) target(%dma_start3A_131 : memref<128x32xf32, #tpu.memory_space<vmem>>) offsets(%dma_start3A_133 : memref<128xi32, #tpu.memory_space<vmem>>) semaphore(%arg19 : memref<!tpu.dma_semaphore, #tpu.memory_space<semaphore_mem>>)
    %dma_wait3A_137 = arith.constant 256 : i32
    %dma_wait3A_138 = arith.constant 0 : i32
    %dma_wait3A_139 = tpu.memref_slice %arg12[%dma_wait3A_137, %dma_wait3A_138] : memref<512x32xf32, #tpu.memory_space<vmem>> -> memref<128x32xf32, #tpu.memory_space<vmem>>
    %dma_wait3A_140 = arith.constant 256 : i32
    %dma_wait3A_141 = tpu.memref_slice %arg10[%dma_wait3A_140] : memref<512xi32, #tpu.memory_space<vmem>> -> memref<128xi32, #tpu.memory_space<vmem>>
    %dma_wait3A_142 = arith.constant 0 : i32
    %dma_wait3A_143 = arith.constant 0 : i32
    %dma_wait3A_144 = tpu.memref_slice %arg2[%dma_wait3A_142, %dma_wait3A_143] : memref<1000000x32xf32, #tpu.memory_space<hbm>> -> memref<1000000x32xf32, #tpu.memory_space<hbm>>
    tpu.wait_indirect_dma semaphore(%arg19 : memref<!tpu.dma_semaphore, #tpu.memory_space<semaphore_mem>>) src(%dma_wait3A_144 : memref<1000000x32xf32, #tpu.memory_space<hbm>>) dst(%dma_wait3A_139 : memref<128x32xf32, #tpu.memory_space<vmem>>)
    %dma_start3A_145 = arith.constant 256 : i32
    %dma_start3A_146 = arith.constant 0 : i32
    %dma_start3A_147 = tpu.memref_slice %arg13[%dma_start3A_145, %dma_start3A_146] : memref<512x32xf32, #tpu.memory_space<vmem>> -> memref<128x32xf32, #tpu.memory_space<vmem>>
    %dma_start3A_148 = arith.constant 256 : i32
    %dma_start3A_149 = tpu.memref_slice %arg11[%dma_start3A_148] : memref<512xi32, #tpu.memory_space<vmem>> -> memref<128xi32, #tpu.memory_space<vmem>>
    %dma_start3A_150 = arith.constant 0 : i32
    %dma_start3A_151 = arith.constant 0 : i32
    %dma_start3A_152 = tpu.memref_slice %arg3[%dma_start3A_150, %dma_start3A_151] : memref<1000000x32xf32, #tpu.memory_space<hbm>> -> memref<1000000x32xf32, #tpu.memory_space<hbm>>
    tpu.enqueue_indirect_dma source(%dma_start3A_152 : memref<1000000x32xf32, #tpu.memory_space<hbm>>) target(%dma_start3A_147 : memref<128x32xf32, #tpu.memory_space<vmem>>) offsets(%dma_start3A_149 : memref<128xi32, #tpu.memory_space<vmem>>) semaphore(%arg19 : memref<!tpu.dma_semaphore, #tpu.memory_space<semaphore_mem>>)
    %dma_wait3A_153 = arith.constant 256 : i32
    %dma_wait3A_154 = arith.constant 0 : i32
    %dma_wait3A_155 = tpu.memref_slice %arg13[%dma_wait3A_153, %dma_wait3A_154] : memref<512x32xf32, #tpu.memory_space<vmem>> -> memref<128x32xf32, #tpu.memory_space<vmem>>
    %dma_wait3A_156 = arith.constant 256 : i32
    %dma_wait3A_157 = tpu.memref_slice %arg11[%dma_wait3A_156] : memref<512xi32, #tpu.memory_space<vmem>> -> memref<128xi32, #tpu.memory_space<vmem>>
    %dma_wait3A_158 = arith.constant 0 : i32
    %dma_wait3A_159 = arith.constant 0 : i32
    %dma_wait3A_160 = tpu.memref_slice %arg3[%dma_wait3A_158, %dma_wait3A_159] : memref<1000000x32xf32, #tpu.memory_space<hbm>> -> memref<1000000x32xf32, #tpu.memory_space<hbm>>
    tpu.wait_indirect_dma semaphore(%arg19 : memref<!tpu.dma_semaphore, #tpu.memory_space<semaphore_mem>>) src(%dma_wait3A_160 : memref<1000000x32xf32, #tpu.memory_space<hbm>>) dst(%dma_wait3A_155 : memref<128x32xf32, #tpu.memory_space<vmem>>)
    %dma_start3A_161 = arith.constant 256 : i32
    %dma_start3A_162 = arith.constant 0 : i32
    %dma_start3A_163 = tpu.memref_slice %arg14[%dma_start3A_161, %dma_start3A_162] : memref<512x1xf32, #tpu.memory_space<vmem>> -> memref<128x1xf32, #tpu.memory_space<vmem>>
    %dma_start3A_164 = arith.constant 256 : i32
    %dma_start3A_165 = tpu.memref_slice %arg10[%dma_start3A_164] : memref<512xi32, #tpu.memory_space<vmem>> -> memref<128xi32, #tpu.memory_space<vmem>>
    %dma_start3A_166 = arith.constant 0 : i32
    %dma_start3A_167 = arith.constant 0 : i32
    %dma_start3A_168 = tpu.memref_slice %arg6[%dma_start3A_166, %dma_start3A_167] : memref<1000000x1xf32, #tpu.memory_space<hbm>> -> memref<1000000x1xf32, #tpu.memory_space<hbm>>
    tpu.enqueue_indirect_dma source(%dma_start3A_168 : memref<1000000x1xf32, #tpu.memory_space<hbm>>) target(%dma_start3A_163 : memref<128x1xf32, #tpu.memory_space<vmem>>) offsets(%dma_start3A_165 : memref<128xi32, #tpu.memory_space<vmem>>) semaphore(%arg19 : memref<!tpu.dma_semaphore, #tpu.memory_space<semaphore_mem>>)
    %dma_wait3A_169 = arith.constant 256 : i32
    %dma_wait3A_170 = arith.constant 0 : i32
    %dma_wait3A_171 = tpu.memref_slice %arg14[%dma_wait3A_169, %dma_wait3A_170] : memref<512x1xf32, #tpu.memory_space<vmem>> -> memref<128x1xf32, #tpu.memory_space<vmem>>
    %dma_wait3A_172 = arith.constant 256 : i32
    %dma_wait3A_173 = tpu.memref_slice %arg10[%dma_wait3A_172] : memref<512xi32, #tpu.memory_space<vmem>> -> memref<128xi32, #tpu.memory_space<vmem>>
    %dma_wait3A_174 = arith.constant 0 : i32
    %dma_wait3A_175 = arith.constant 0 : i32
    %dma_wait3A_176 = tpu.memref_slice %arg6[%dma_wait3A_174, %dma_wait3A_175] : memref<1000000x1xf32, #tpu.memory_space<hbm>> -> memref<1000000x1xf32, #tpu.memory_space<hbm>>
    tpu.wait_indirect_dma semaphore(%arg19 : memref<!tpu.dma_semaphore, #tpu.memory_space<semaphore_mem>>) src(%dma_wait3A_176 : memref<1000000x1xf32, #tpu.memory_space<hbm>>) dst(%dma_wait3A_171 : memref<128x1xf32, #tpu.memory_space<vmem>>)
    %dma_start3A_177 = arith.constant 256 : i32
    %dma_start3A_178 = arith.constant 0 : i32
    %dma_start3A_179 = tpu.memref_slice %arg15[%dma_start3A_177, %dma_start3A_178] : memref<512x1xf32, #tpu.memory_space<vmem>> -> memref<128x1xf32, #tpu.memory_space<vmem>>
    %dma_start3A_180 = arith.constant 256 : i32
    %dma_start3A_181 = tpu.memref_slice %arg11[%dma_start3A_180] : memref<512xi32, #tpu.memory_space<vmem>> -> memref<128xi32, #tpu.memory_space<vmem>>
    %dma_start3A_182 = arith.constant 0 : i32
    %dma_start3A_183 = arith.constant 0 : i32
    %dma_start3A_184 = tpu.memref_slice %arg7[%dma_start3A_182, %dma_start3A_183] : memref<1000000x1xf32, #tpu.memory_space<hbm>> -> memref<1000000x1xf32, #tpu.memory_space<hbm>>
    tpu.enqueue_indirect_dma source(%dma_start3A_184 : memref<1000000x1xf32, #tpu.memory_space<hbm>>) target(%dma_start3A_179 : memref<128x1xf32, #tpu.memory_space<vmem>>) offsets(%dma_start3A_181 : memref<128xi32, #tpu.memory_space<vmem>>) semaphore(%arg19 : memref<!tpu.dma_semaphore, #tpu.memory_space<semaphore_mem>>)
    %dma_wait3A_185 = arith.constant 256 : i32
    %dma_wait3A_186 = arith.constant 0 : i32
    %dma_wait3A_187 = tpu.memref_slice %arg15[%dma_wait3A_185, %dma_wait3A_186] : memref<512x1xf32, #tpu.memory_space<vmem>> -> memref<128x1xf32, #tpu.memory_space<vmem>>
    %dma_wait3A_188 = arith.constant 256 : i32
    %dma_wait3A_189 = tpu.memref_slice %arg11[%dma_wait3A_188] : memref<512xi32, #tpu.memory_space<vmem>> -> memref<128xi32, #tpu.memory_space<vmem>>
    %dma_wait3A_190 = arith.constant 0 : i32
    %dma_wait3A_191 = arith.constant 0 : i32
    %dma_wait3A_192 = tpu.memref_slice %arg7[%dma_wait3A_190, %dma_wait3A_191] : memref<1000000x1xf32, #tpu.memory_space<hbm>> -> memref<1000000x1xf32, #tpu.memory_space<hbm>>
    tpu.wait_indirect_dma semaphore(%arg19 : memref<!tpu.dma_semaphore, #tpu.memory_space<semaphore_mem>>) src(%dma_wait3A_192 : memref<1000000x1xf32, #tpu.memory_space<hbm>>) dst(%dma_wait3A_187 : memref<128x1xf32, #tpu.memory_space<vmem>>)
    %dma_start3A_193 = arith.constant 384 : i32
    %dma_start3A_194 = arith.constant 0 : i32
    %dma_start3A_195 = tpu.memref_slice %arg12[%dma_start3A_193, %dma_start3A_194] : memref<512x32xf32, #tpu.memory_space<vmem>> -> memref<128x32xf32, #tpu.memory_space<vmem>>
    %dma_start3A_196 = arith.constant 384 : i32
    %dma_start3A_197 = tpu.memref_slice %arg10[%dma_start3A_196] : memref<512xi32, #tpu.memory_space<vmem>> -> memref<128xi32, #tpu.memory_space<vmem>>
    %dma_start3A_198 = arith.constant 0 : i32
    %dma_start3A_199 = arith.constant 0 : i32
    %dma_start3A_200 = tpu.memref_slice %arg2[%dma_start3A_198, %dma_start3A_199] : memref<1000000x32xf32, #tpu.memory_space<hbm>> -> memref<1000000x32xf32, #tpu.memory_space<hbm>>
    tpu.enqueue_indirect_dma source(%dma_start3A_200 : memref<1000000x32xf32, #tpu.memory_space<hbm>>) target(%dma_start3A_195 : memref<128x32xf32, #tpu.memory_space<vmem>>) offsets(%dma_start3A_197 : memref<128xi32, #tpu.memory_space<vmem>>) semaphore(%arg19 : memref<!tpu.dma_semaphore, #tpu.memory_space<semaphore_mem>>)
    %dma_wait3A_201 = arith.constant 384 : i32
    %dma_wait3A_202 = arith.constant 0 : i32
    %dma_wait3A_203 = tpu.memref_slice %arg12[%dma_wait3A_201, %dma_wait3A_202] : memref<512x32xf32, #tpu.memory_space<vmem>> -> memref<128x32xf32, #tpu.memory_space<vmem>>
    %dma_wait3A_204 = arith.constant 384 : i32
    %dma_wait3A_205 = tpu.memref_slice %arg10[%dma_wait3A_204] : memref<512xi32, #tpu.memory_space<vmem>> -> memref<128xi32, #tpu.memory_space<vmem>>
    %dma_wait3A_206 = arith.constant 0 : i32
    %dma_wait3A_207 = arith.constant 0 : i32
    %dma_wait3A_208 = tpu.memref_slice %arg2[%dma_wait3A_206, %dma_wait3A_207] : memref<1000000x32xf32, #tpu.memory_space<hbm>> -> memref<1000000x32xf32, #tpu.memory_space<hbm>>
    tpu.wait_indirect_dma semaphore(%arg19 : memref<!tpu.dma_semaphore, #tpu.memory_space<semaphore_mem>>) src(%dma_wait3A_208 : memref<1000000x32xf32, #tpu.memory_space<hbm>>) dst(%dma_wait3A_203 : memref<128x32xf32, #tpu.memory_space<vmem>>)
    %dma_start3A_209 = arith.constant 384 : i32
    %dma_start3A_210 = arith.constant 0 : i32
    %dma_start3A_211 = tpu.memref_slice %arg13[%dma_start3A_209, %dma_start3A_210] : memref<512x32xf32, #tpu.memory_space<vmem>> -> memref<128x32xf32, #tpu.memory_space<vmem>>
    %dma_start3A_212 = arith.constant 384 : i32
    %dma_start3A_213 = tpu.memref_slice %arg11[%dma_start3A_212] : memref<512xi32, #tpu.memory_space<vmem>> -> memref<128xi32, #tpu.memory_space<vmem>>
    %dma_start3A_214 = arith.constant 0 : i32
    %dma_start3A_215 = arith.constant 0 : i32
    %dma_start3A_216 = tpu.memref_slice %arg3[%dma_start3A_214, %dma_start3A_215] : memref<1000000x32xf32, #tpu.memory_space<hbm>> -> memref<1000000x32xf32, #tpu.memory_space<hbm>>
    tpu.enqueue_indirect_dma source(%dma_start3A_216 : memref<1000000x32xf32, #tpu.memory_space<hbm>>) target(%dma_start3A_211 : memref<128x32xf32, #tpu.memory_space<vmem>>) offsets(%dma_start3A_213 : memref<128xi32, #tpu.memory_space<vmem>>) semaphore(%arg19 : memref<!tpu.dma_semaphore, #tpu.memory_space<semaphore_mem>>)
    %dma_wait3A_217 = arith.constant 384 : i32
    %dma_wait3A_218 = arith.constant 0 : i32
    %dma_wait3A_219 = tpu.memref_slice %arg13[%dma_wait3A_217, %dma_wait3A_218] : memref<512x32xf32, #tpu.memory_space<vmem>> -> memref<128x32xf32, #tpu.memory_space<vmem>>
    %dma_wait3A_220 = arith.constant 384 : i32
    %dma_wait3A_221 = tpu.memref_slice %arg11[%dma_wait3A_220] : memref<512xi32, #tpu.memory_space<vmem>> -> memref<128xi32, #tpu.memory_space<vmem>>
    %dma_wait3A_222 = arith.constant 0 : i32
    %dma_wait3A_223 = arith.constant 0 : i32
    %dma_wait3A_224 = tpu.memref_slice %arg3[%dma_wait3A_222, %dma_wait3A_223] : memref<1000000x32xf32, #tpu.memory_space<hbm>> -> memref<1000000x32xf32, #tpu.memory_space<hbm>>
    tpu.wait_indirect_dma semaphore(%arg19 : memref<!tpu.dma_semaphore, #tpu.memory_space<semaphore_mem>>) src(%dma_wait3A_224 : memref<1000000x32xf32, #tpu.memory_space<hbm>>) dst(%dma_wait3A_219 : memref<128x32xf32, #tpu.memory_space<vmem>>)
    %dma_start3A_225 = arith.constant 384 : i32
    %dma_start3A_226 = arith.constant 0 : i32
    %dma_start3A_227 = tpu.memref_slice %arg14[%dma_start3A_225, %dma_start3A_226] : memref<512x1xf32, #tpu.memory_space<vmem>> -> memref<128x1xf32, #tpu.memory_space<vmem>>
    %dma_start3A_228 = arith.constant 384 : i32
    %dma_start3A_229 = tpu.memref_slice %arg10[%dma_start3A_228] : memref<512xi32, #tpu.memory_space<vmem>> -> memref<128xi32, #tpu.memory_space<vmem>>
    %dma_start3A_230 = arith.constant 0 : i32
    %dma_start3A_231 = arith.constant 0 : i32
    %dma_start3A_232 = tpu.memref_slice %arg6[%dma_start3A_230, %dma_start3A_231] : memref<1000000x1xf32, #tpu.memory_space<hbm>> -> memref<1000000x1xf32, #tpu.memory_space<hbm>>
    tpu.enqueue_indirect_dma source(%dma_start3A_232 : memref<1000000x1xf32, #tpu.memory_space<hbm>>) target(%dma_start3A_227 : memref<128x1xf32, #tpu.memory_space<vmem>>) offsets(%dma_start3A_229 : memref<128xi32, #tpu.memory_space<vmem>>) semaphore(%arg19 : memref<!tpu.dma_semaphore, #tpu.memory_space<semaphore_mem>>)
    %dma_wait3A_233 = arith.constant 384 : i32
    %dma_wait3A_234 = arith.constant 0 : i32
    %dma_wait3A_235 = tpu.memref_slice %arg14[%dma_wait3A_233, %dma_wait3A_234] : memref<512x1xf32, #tpu.memory_space<vmem>> -> memref<128x1xf32, #tpu.memory_space<vmem>>
    %dma_wait3A_236 = arith.constant 384 : i32
    %dma_wait3A_237 = tpu.memref_slice %arg10[%dma_wait3A_236] : memref<512xi32, #tpu.memory_space<vmem>> -> memref<128xi32, #tpu.memory_space<vmem>>
    %dma_wait3A_238 = arith.constant 0 : i32
    %dma_wait3A_239 = arith.constant 0 : i32
    %dma_wait3A_240 = tpu.memref_slice %arg6[%dma_wait3A_238, %dma_wait3A_239] : memref<1000000x1xf32, #tpu.memory_space<hbm>> -> memref<1000000x1xf32, #tpu.memory_space<hbm>>
    tpu.wait_indirect_dma semaphore(%arg19 : memref<!tpu.dma_semaphore, #tpu.memory_space<semaphore_mem>>) src(%dma_wait3A_240 : memref<1000000x1xf32, #tpu.memory_space<hbm>>) dst(%dma_wait3A_235 : memref<128x1xf32, #tpu.memory_space<vmem>>)
    %dma_start3A_241 = arith.constant 384 : i32
    %dma_start3A_242 = arith.constant 0 : i32
    %dma_start3A_243 = tpu.memref_slice %arg15[%dma_start3A_241, %dma_start3A_242] : memref<512x1xf32, #tpu.memory_space<vmem>> -> memref<128x1xf32, #tpu.memory_space<vmem>>
    %dma_start3A_244 = arith.constant 384 : i32
    %dma_start3A_245 = tpu.memref_slice %arg11[%dma_start3A_244] : memref<512xi32, #tpu.memory_space<vmem>> -> memref<128xi32, #tpu.memory_space<vmem>>
    %dma_start3A_246 = arith.constant 0 : i32
    %dma_start3A_247 = arith.constant 0 : i32
    %dma_start3A_248 = tpu.memref_slice %arg7[%dma_start3A_246, %dma_start3A_247] : memref<1000000x1xf32, #tpu.memory_space<hbm>> -> memref<1000000x1xf32, #tpu.memory_space<hbm>>
    tpu.enqueue_indirect_dma source(%dma_start3A_248 : memref<1000000x1xf32, #tpu.memory_space<hbm>>) target(%dma_start3A_243 : memref<128x1xf32, #tpu.memory_space<vmem>>) offsets(%dma_start3A_245 : memref<128xi32, #tpu.memory_space<vmem>>) semaphore(%arg19 : memref<!tpu.dma_semaphore, #tpu.memory_space<semaphore_mem>>)
    %dma_wait3A_249 = arith.constant 384 : i32
    %dma_wait3A_250 = arith.constant 0 : i32
    %dma_wait3A_251 = tpu.memref_slice %arg15[%dma_wait3A_249, %dma_wait3A_250] : memref<512x1xf32, #tpu.memory_space<vmem>> -> memref<128x1xf32, #tpu.memory_space<vmem>>
    %dma_wait3A_252 = arith.constant 384 : i32
    %dma_wait3A_253 = tpu.memref_slice %arg11[%dma_wait3A_252] : memref<512xi32, #tpu.memory_space<vmem>> -> memref<128xi32, #tpu.memory_space<vmem>>
    %dma_wait3A_254 = arith.constant 0 : i32
    %dma_wait3A_255 = arith.constant 0 : i32
    %dma_wait3A_256 = tpu.memref_slice %arg7[%dma_wait3A_254, %dma_wait3A_255] : memref<1000000x1xf32, #tpu.memory_space<hbm>> -> memref<1000000x1xf32, #tpu.memory_space<hbm>>
    tpu.wait_indirect_dma semaphore(%arg19 : memref<!tpu.dma_semaphore, #tpu.memory_space<semaphore_mem>>) src(%dma_wait3A_256 : memref<1000000x1xf32, #tpu.memory_space<hbm>>) dst(%dma_wait3A_251 : memref<128x1xf32, #tpu.memory_space<vmem>>)
    %iota3A = tpu.iota {dimensions = array<i32: 0>} : vector<16xi32>
    %broadcast_in_dim3A = arith.constant 0 : i32
    %broadcast_in_dim3A_257 = vector.broadcast %broadcast_in_dim3A : i32 to vector<16xi32>
    %gather3A = tpu.vector_load_idx %arg16[%broadcast_in_dim3A_257] : memref<16xf32, #tpu.memory_space<vmem>>[vector<16xi32>], vector<16xf32>,
    %scan3A = arith.constant 0 : i32
    %scan3A_258 = arith.constant 0 : i32
    %scan3A_259 = arith.constant 512 : i32
    %scan3A_260 = arith.addi %scan3A_258, %scan3A_259 : i32
    %scan3A_261 = arith.constant 1 : i32
    %scan3A_262 = scf.for %scan3A_271 = %scan3A_258 to %scan3A_260 step %scan3A_261 iter_args(%scan3A_272 = %scan3A) -> (i32)  : i32 {
      %get3A = arith.index_cast %scan3A_271 : i32 to index
      %get3A_273 = arith.constant 0 : index
      %get3A_274 = tpu.vector_load %arg12[%get3A, %get3A_273] {strides = array<i32>} : memref<512x32xf32, #tpu.memory_space<vmem>>, vector<16xf32>,
      %get3A_275 = arith.index_cast %scan3A_271 : i32 to index
      %get3A_276 = arith.constant 16 : index
      %get3A_277 = tpu.vector_load %arg12[%get3A_275, %get3A_276] {strides = array<i32>} : memref<512x32xf32, #tpu.memory_space<vmem>>, vector<16xf32>,
      %get3A_278 = arith.index_cast %scan3A_271 : i32 to index
      %get3A_279 = arith.constant 0 : index
      %get3A_280 = tpu.vector_load %arg13[%get3A_278, %get3A_279] {strides = array<i32>} : memref<512x32xf32, #tpu.memory_space<vmem>>, vector<16xf32>,
      %get3A_281 = arith.index_cast %scan3A_271 : i32 to index
      %get3A_282 = arith.constant 16 : index
      %get3A_283 = tpu.vector_load %arg13[%get3A_281, %get3A_282] {strides = array<i32>} : memref<512x32xf32, #tpu.memory_space<vmem>>, vector<16xf32>,
      %mul3A_284 = arith.mulf %get3A_274, %get3A_280 : vector<16xf32>
      %mul3A_285 = arith.mulf %get3A_277, %get3A_283 : vector<16xf32>
      %add3A_286 = arith.addf %mul3A_284, %mul3A_285 : vector<16xf32>
      %swap3A = arith.index_cast %scan3A_271 : i32 to index
      %swap3A_287 = arith.constant 0 : index
      %swap3A_288 = tpu.vector_load %arg17[%swap3A, %swap3A_287] {strides = array<i32>} : memref<512x16xf32, #tpu.memory_space<vmem>>, vector<16xf32>,
      tpu.vector_store %arg17[%swap3A, %swap3A_287], %add3A_286 {strides = array<i32>} : memref<512x16xf32, #tpu.memory_space<vmem>>, vector<16xf32>,
      %scan3A_289 = arith.constant 0 : i32
      scf.yield %scan3A_289 : i32
    }
    %scan3A_263 = arith.constant 512 : i32
    %scan3A_264 = arith.constant 0 : i32
    %scan3A_265 = arith.constant 0 : i32
    %scan3A_266 = arith.constant 32 : i32
    %scan3A_267 = arith.addi %scan3A_265, %scan3A_266 : i32
    %scan3A_268 = arith.constant 1 : i32
    %scan3A_269 = scf.for %scan3A_271 = %scan3A_265 to %scan3A_267 step %scan3A_268 iter_args(%scan3A_272 = %scan3A_264) -> (i32)  : i32 {
      %mul3A_273 = arith.constant 16 : i32
      %mul3A_274 = arith.muli %scan3A_271, %mul3A_273 : i32
      %add3A_275 = vector.broadcast %mul3A_274 : i32 to vector<16xi32>
      %add3A_276 = arith.addi %add3A_275, %iota3A : vector<16xi32>
      %gather3A_277 = tpu.vector_load_idx %arg14[%add3A_276, %broadcast_in_dim3A_257] : memref<512x1xf32, #tpu.memory_space<vmem>>[vector<16xi32>, vector<16xi32>], vector<16xf32>,
      %gather3A_278 = tpu.vector_load_idx %arg15[%add3A_276, %broadcast_in_dim3A_257] : memref<512x1xf32, #tpu.memory_space<vmem>>[vector<16xi32>, vector<16xi32>], vector<16xf32>,
      %add3A_279 = arith.addf %gather3A_277, %gather3A_278 : vector<16xf32>
      %add3A_280 = arith.addf %add3A_279, %gather3A : vector<16xf32>
      %add3A_281 = arith.constant 0 : i32
      %add3A_282 = vector.broadcast %add3A_281 : i32 to vector<16xi32>
      %add3A_283 = arith.addi %iota3A, %add3A_282 : vector<16xi32>
      %and3A = arith.constant 15 : i32
      %and3A_284 = vector.broadcast %and3A : i32 to vector<16xi32>
      %and3A_285 = arith.andi %add3A_283, %and3A_284 : vector<16xi32>
      %gather3A_286 = tpu.vector_load_idx %arg17[%add3A_276, %and3A_285] : memref<512x16xf32, #tpu.memory_space<vmem>>[vector<16xi32>, vector<16xi32>], vector<16xf32>,
      %add3A_287 = arith.addf %add3A_280, %gather3A_286 : vector<16xf32>
      %add3A_288 = arith.constant 1 : i32
      %add3A_289 = vector.broadcast %add3A_288 : i32 to vector<16xi32>
      %add3A_290 = arith.addi %iota3A, %add3A_289 : vector<16xi32>
      %and3A_291 = arith.constant 15 : i32
      %and3A_292 = vector.broadcast %and3A_291 : i32 to vector<16xi32>
      %and3A_293 = arith.andi %add3A_290, %and3A_292 : vector<16xi32>
      %gather3A_294 = tpu.vector_load_idx %arg17[%add3A_276, %and3A_293] : memref<512x16xf32, #tpu.memory_space<vmem>>[vector<16xi32>, vector<16xi32>], vector<16xf32>,
      %add3A_295 = arith.addf %add3A_287, %gather3A_294 : vector<16xf32>
      %add3A_296 = arith.constant 2 : i32
      %add3A_297 = vector.broadcast %add3A_296 : i32 to vector<16xi32>
      %add3A_298 = arith.addi %iota3A, %add3A_297 : vector<16xi32>
      %and3A_299 = arith.constant 15 : i32
      %and3A_300 = vector.broadcast %and3A_299 : i32 to vector<16xi32>
      %and3A_301 = arith.andi %add3A_298, %and3A_300 : vector<16xi32>
      %gather3A_302 = tpu.vector_load_idx %arg17[%add3A_276, %and3A_301] : memref<512x16xf32, #tpu.memory_space<vmem>>[vector<16xi32>, vector<16xi32>], vector<16xf32>,
      %add3A_303 = arith.addf %add3A_295, %gather3A_302 : vector<16xf32>
      %add3A_304 = arith.constant 3 : i32
      %add3A_305 = vector.broadcast %add3A_304 : i32 to vector<16xi32>
      %add3A_306 = arith.addi %iota3A, %add3A_305 : vector<16xi32>
      %and3A_307 = arith.constant 15 : i32
      %and3A_308 = vector.broadcast %and3A_307 : i32 to vector<16xi32>
      %and3A_309 = arith.andi %add3A_306, %and3A_308 : vector<16xi32>
      %gather3A_310 = tpu.vector_load_idx %arg17[%add3A_276, %and3A_309] : memref<512x16xf32, #tpu.memory_space<vmem>>[vector<16xi32>, vector<16xi32>], vector<16xf32>,
      %add3A_311 = arith.addf %add3A_303, %gather3A_310 : vector<16xf32>
      %add3A_312 = arith.constant 4 : i32
      %add3A_313 = vector.broadcast %add3A_312 : i32 to vector<16xi32>
      %add3A_314 = arith.addi %iota3A, %add3A_313 : vector<16xi32>
      %and3A_315 = arith.constant 15 : i32
      %and3A_316 = vector.broadcast %and3A_315 : i32 to vector<16xi32>
      %and3A_317 = arith.andi %add3A_314, %and3A_316 : vector<16xi32>
      %gather3A_318 = tpu.vector_load_idx %arg17[%add3A_276, %and3A_317] : memref<512x16xf32, #tpu.memory_space<vmem>>[vector<16xi32>, vector<16xi32>], vector<16xf32>,
      %add3A_319 = arith.addf %add3A_311, %gather3A_318 : vector<16xf32>
      %add3A_320 = arith.constant 5 : i32
      %add3A_321 = vector.broadcast %add3A_320 : i32 to vector<16xi32>
      %add3A_322 = arith.addi %iota3A, %add3A_321 : vector<16xi32>
      %and3A_323 = arith.constant 15 : i32
      %and3A_324 = vector.broadcast %and3A_323 : i32 to vector<16xi32>
      %and3A_325 = arith.andi %add3A_322, %and3A_324 : vector<16xi32>
      %gather3A_326 = tpu.vector_load_idx %arg17[%add3A_276, %and3A_325] : memref<512x16xf32, #tpu.memory_space<vmem>>[vector<16xi32>, vector<16xi32>], vector<16xf32>,
      %add3A_327 = arith.addf %add3A_319, %gather3A_326 : vector<16xf32>
      %add3A_328 = arith.constant 6 : i32
      %add3A_329 = vector.broadcast %add3A_328 : i32 to vector<16xi32>
      %add3A_330 = arith.addi %iota3A, %add3A_329 : vector<16xi32>
      %and3A_331 = arith.constant 15 : i32
      %and3A_332 = vector.broadcast %and3A_331 : i32 to vector<16xi32>
      %and3A_333 = arith.andi %add3A_330, %and3A_332 : vector<16xi32>
      %gather3A_334 = tpu.vector_load_idx %arg17[%add3A_276, %and3A_333] : memref<512x16xf32, #tpu.memory_space<vmem>>[vector<16xi32>, vector<16xi32>], vector<16xf32>,
      %add3A_335 = arith.addf %add3A_327, %gather3A_334 : vector<16xf32>
      %add3A_336 = arith.constant 7 : i32
      %add3A_337 = vector.broadcast %add3A_336 : i32 to vector<16xi32>
      %add3A_338 = arith.addi %iota3A, %add3A_337 : vector<16xi32>
      %and3A_339 = arith.constant 15 : i32
      %and3A_340 = vector.broadcast %and3A_339 : i32 to vector<16xi32>
      %and3A_341 = arith.andi %add3A_338, %and3A_340 : vector<16xi32>
      %gather3A_342 = tpu.vector_load_idx %arg17[%add3A_276, %and3A_341] : memref<512x16xf32, #tpu.memory_space<vmem>>[vector<16xi32>, vector<16xi32>], vector<16xf32>,
      %add3A_343 = arith.addf %add3A_335, %gather3A_342 : vector<16xf32>
      %add3A_344 = arith.constant 8 : i32
      %add3A_345 = vector.broadcast %add3A_344 : i32 to vector<16xi32>
      %add3A_346 = arith.addi %iota3A, %add3A_345 : vector<16xi32>
      %and3A_347 = arith.constant 15 : i32
      %and3A_348 = vector.broadcast %and3A_347 : i32 to vector<16xi32>
      %and3A_349 = arith.andi %add3A_346, %and3A_348 : vector<16xi32>
      %gather3A_350 = tpu.vector_load_idx %arg17[%add3A_276, %and3A_349] : memref<512x16xf32, #tpu.memory_space<vmem>>[vector<16xi32>, vector<16xi32>], vector<16xf32>,
      %add3A_351 = arith.addf %add3A_343, %gather3A_350 : vector<16xf32>
      %add3A_352 = arith.constant 9 : i32
      %add3A_353 = vector.broadcast %add3A_352 : i32 to vector<16xi32>
      %add3A_354 = arith.addi %iota3A, %add3A_353 : vector<16xi32>
      %and3A_355 = arith.constant 15 : i32
      %and3A_356 = vector.broadcast %and3A_355 : i32 to vector<16xi32>
      %and3A_357 = arith.andi %add3A_354, %and3A_356 : vector<16xi32>
      %gather3A_358 = tpu.vector_load_idx %arg17[%add3A_276, %and3A_357] : memref<512x16xf32, #tpu.memory_space<vmem>>[vector<16xi32>, vector<16xi32>], vector<16xf32>,
      %add3A_359 = arith.addf %add3A_351, %gather3A_358 : vector<16xf32>
      %add3A_360 = arith.constant 10 : i32
      %add3A_361 = vector.broadcast %add3A_360 : i32 to vector<16xi32>
      %add3A_362 = arith.addi %iota3A, %add3A_361 : vector<16xi32>
      %and3A_363 = arith.constant 15 : i32
      %and3A_364 = vector.broadcast %and3A_363 : i32 to vector<16xi32>
      %and3A_365 = arith.andi %add3A_362, %and3A_364 : vector<16xi32>
      %gather3A_366 = tpu.vector_load_idx %arg17[%add3A_276, %and3A_365] : memref<512x16xf32, #tpu.memory_space<vmem>>[vector<16xi32>, vector<16xi32>], vector<16xf32>,
      %add3A_367 = arith.addf %add3A_359, %gather3A_366 : vector<16xf32>
      %add3A_368 = arith.constant 11 : i32
      %add3A_369 = vector.broadcast %add3A_368 : i32 to vector<16xi32>
      %add3A_370 = arith.addi %iota3A, %add3A_369 : vector<16xi32>
      %and3A_371 = arith.constant 15 : i32
      %and3A_372 = vector.broadcast %and3A_371 : i32 to vector<16xi32>
      %and3A_373 = arith.andi %add3A_370, %and3A_372 : vector<16xi32>
      %gather3A_374 = tpu.vector_load_idx %arg17[%add3A_276, %and3A_373] : memref<512x16xf32, #tpu.memory_space<vmem>>[vector<16xi32>, vector<16xi32>], vector<16xf32>,
      %add3A_375 = arith.addf %add3A_367, %gather3A_374 : vector<16xf32>
      %add3A_376 = arith.constant 12 : i32
      %add3A_377 = vector.broadcast %add3A_376 : i32 to vector<16xi32>
      %add3A_378 = arith.addi %iota3A, %add3A_377 : vector<16xi32>
      %and3A_379 = arith.constant 15 : i32
      %and3A_380 = vector.broadcast %and3A_379 : i32 to vector<16xi32>
      %and3A_381 = arith.andi %add3A_378, %and3A_380 : vector<16xi32>
      %gather3A_382 = tpu.vector_load_idx %arg17[%add3A_276, %and3A_381] : memref<512x16xf32, #tpu.memory_space<vmem>>[vector<16xi32>, vector<16xi32>], vector<16xf32>,
      %add3A_383 = arith.addf %add3A_375, %gather3A_382 : vector<16xf32>
      %add3A_384 = arith.constant 13 : i32
      %add3A_385 = vector.broadcast %add3A_384 : i32 to vector<16xi32>
      %add3A_386 = arith.addi %iota3A, %add3A_385 : vector<16xi32>
      %and3A_387 = arith.constant 15 : i32
      %and3A_388 = vector.broadcast %and3A_387 : i32 to vector<16xi32>
      %and3A_389 = arith.andi %add3A_386, %and3A_388 : vector<16xi32>
      %gather3A_390 = tpu.vector_load_idx %arg17[%add3A_276, %and3A_389] : memref<512x16xf32, #tpu.memory_space<vmem>>[vector<16xi32>, vector<16xi32>], vector<16xf32>,
      %add3A_391 = arith.addf %add3A_383, %gather3A_390 : vector<16xf32>
      %add3A_392 = arith.constant 14 : i32
      %add3A_393 = vector.broadcast %add3A_392 : i32 to vector<16xi32>
      %add3A_394 = arith.addi %iota3A, %add3A_393 : vector<16xi32>
      %and3A_395 = arith.constant 15 : i32
      %and3A_396 = vector.broadcast %and3A_395 : i32 to vector<16xi32>
      %and3A_397 = arith.andi %add3A_394, %and3A_396 : vector<16xi32>
      %gather3A_398 = tpu.vector_load_idx %arg17[%add3A_276, %and3A_397] : memref<512x16xf32, #tpu.memory_space<vmem>>[vector<16xi32>, vector<16xi32>], vector<16xf32>,
      %add3A_399 = arith.addf %add3A_391, %gather3A_398 : vector<16xf32>
      %add3A_400 = arith.constant 15 : i32
      %add3A_401 = vector.broadcast %add3A_400 : i32 to vector<16xi32>
      %add3A_402 = arith.addi %iota3A, %add3A_401 : vector<16xi32>
      %and3A_403 = arith.constant 15 : i32
      %and3A_404 = vector.broadcast %and3A_403 : i32 to vector<16xi32>
      %and3A_405 = arith.andi %add3A_402, %and3A_404 : vector<16xi32>
      %gather3A_406 = tpu.vector_load_idx %arg17[%add3A_276, %and3A_405] : memref<512x16xf32, #tpu.memory_space<vmem>>[vector<16xi32>, vector<16xi32>], vector<16xf32>,
      %add3A_407 = arith.addf %add3A_399, %gather3A_406 : vector<16xf32>
      %mul3A_408 = arith.constant 16 : i32
      %mul3A_409 = arith.muli %scan3A_271, %mul3A_408 : i32
      %swap3A = arith.index_cast %mul3A_409 : i32 to index
      %swap3A_410 = tpu.vector_load %arg18[%swap3A] {strides = array<i32>} : memref<512xf32, #tpu.memory_space<vmem>>, vector<16xf32>,
      tpu.vector_store %arg18[%swap3A], %add3A_407 {strides = array<i32>} : memref<512xf32, #tpu.memory_space<vmem>>, vector<16xf32>,
      %scan3A_411 = arith.constant 0 : i32
      scf.yield %scan3A_411 : i32
    }
    %scan3A_270 = arith.constant 32 : i32
    "tpu.region"() ({
      %run_scoped3A = tpu.sem_alloc : memref<!tpu.dma_semaphore, #tpu.memory_space<semaphore_mem>>
      %dma_start3A_271 = tpu.memref_slice %arg9[%mul3A_2] : memref<16384xf32, #tpu.memory_space<hbm>> -> memref<512xf32, #tpu.memory_space<hbm>>
      %dma_start3A_272 = tpu.memref_slice %arg9[%mul3A_2] : memref<16384xf32, #tpu.memory_space<hbm>> -> memref<512xf32, #tpu.memory_space<hbm>>
      tpu.enqueue_dma source(%arg18 : memref<512xf32, #tpu.memory_space<vmem>>) target(%dma_start3A_272 : memref<512xf32, #tpu.memory_space<hbm>>) target_semaphore(%run_scoped3A : memref<!tpu.dma_semaphore, #tpu.memory_space<semaphore_mem>>)
      %dma_wait3A_273 = tpu.memref_slice %arg9[%mul3A_2] : memref<16384xf32, #tpu.memory_space<hbm>> -> memref<512xf32, #tpu.memory_space<hbm>>
      %dma_wait3A_274 = tpu.memref_slice %arg9[%mul3A_2] : memref<16384xf32, #tpu.memory_space<hbm>> -> memref<512xf32, #tpu.memory_space<hbm>>
      tpu.wait_dma2 semaphore(%run_scoped3A : memref<!tpu.dma_semaphore, #tpu.memory_space<semaphore_mem>>) src(%arg18 : memref<512xf32, #tpu.memory_space<vmem>>) dst(%dma_wait3A_274 : memref<512xf32, #tpu.memory_space<hbm>>)
      tpu.yield
    }) : () -> ()
    return
  }
}

</mosaic_0001>

<sc_bundles>
// kernel: _run.3.cloned.1.call-start
scs
__scs_entry_jumppad:
0x0: {  	(pc) =	sbr.rel $0x88, $3  }
0x1: {  	(tag) =	ssettag $0x0;
	lr =	simm.s32 $0x1  }
0x2: {  	[smem:$0x3F9A] =	sst lr;
	_ =	strace $0xD0000000  }
0x3: {  	_ = 	snop  }
0x4: {  	_ = 	snop  }
0x5: {  	_ = 	snop  }
0x6: {  	_ = 	snop  }
0x7: {  	_ = 	snop  }
__scs_overlays_trampoline_lowered:
0x8: {  	[smem:$0x3FA9] =	sst s0  }
0x9: {  	[smem:$0x3FAA] =	sst s1  }
0xa: {  	[smem:$0x3FAB] =	sst s2  }
0xb: {  	[smem:$0x3FAC] =	sst s3  }
0xc: {  	[smem:$0x3FAD] =	sst s4  }
0xd: {  	[smem:$0x3FAE] =	sst s5  }
0xe: {  	[smem:$0x3FAF] =	sst s6  }
0xf: {  	[smem:$0x3FB0] =	sst s7  }
0x10: {  	[smem:$0x3FB1] =	sst s8  }
0x11: {  	[smem:$0x3FB2] =	sst s9;
	s0 =	simm.s32 @!p0 $0x0  }
0x12: {  	s1 =	sld [smem:$0x3F98];
	s0 =	simm.s32 @p0 $0x1  }
0x13: {  	[smem:$0x3FB3] =	sst s0;
	s0 =	simm.s32 @!p1 $0x0  }
0x14: {  	s2 =	sld [smem:$0x3F97];
	s0 =	simm.s32 @p1 $0x1  }
0x15: {  	[smem:$0x3FB4] =	sst s0;
	s0 =	simm.s32 @!p2 $0x0  }
0x16: {  	s3 =	sld [smem:$0x3FDB];
	s0 =	simm.s32 @p2 $0x1  }
0x17: {  	s4 =	simm.s32 $0x1BF5;
	[smem:$0x3FB6] =	sst s0  }
0x18: {  	s0 =	sld [smem:$0x3F99];
	_ =	swait.ge [sflag:s4], $0x0  }
0x19: {  	s7 =	sld [smem:$0x3F9A]  }
0x1a: {  	s8 =	sadd.s32 $0xFFFFE003, lr  }
0x1b: {  	s9 =	sadd.s32 $0xFFFFFEF7, lr;
	s5 =	simm.s32 $0xFFFFFFFF;
	p2 =	slt.u32 s8, $0xFFFFF086  }
0x1c: {  	p1 =	slt.u32 s9, $0xF7A;
	s5 =	simm.s32 @!p2 $0x0  }
0x1d: {  	s5 =	simm.s32 @p1 $0x1;
	p0 =	seq.s32 s7, s2  }
0x1e: {  	s7 =	smul.u32 @!p0 $0xF7A, s2;
	p2 =	seq.s32 @!p0 s5, $0x0  }
0x1f: {  	s9 =	smul.u32 $0xF7A, s1;
	s8 =	simm.s32 @!p0 $0x1BF5;
	p2 =	por !p2, p0  }
0x20: {  	[sflag:s8] =	ssyncset.s32 @!p0 $0xFFFFF086;
	s6 =	sadd.s32 @!p0 s3, s7;
	s7 =	simm.s32 @!p0 $0x108  }
0x21: {  	s3 =	sadd.s32 s3, s9;
	s6 =	sadd.s32 @!p0 $0x88, s6;
	s7 =	simm.s32 @p2 $0x1082  }
0x22: {  	[simem:s7], [sflag:s8] =	dma.local @!p0 [hbm:s6], $0xF7A  }
0x23: {  	s9 =	sor.u32 $0xD0000000, s2;
	s6 =	simm.s32 $0x108;
	_ =	swait.ge @!p0 [sflag:s8], $0x0  }
0x24: {  	s3 =	sadd.s32 $0x88, s3;
	s6 =	simm.s32 @!p1 $0x1082;
	[sflag:s4] =	ssyncset.s32 $0xFFFFF086  }
0x25: {  	[simem:s6], [sflag:s4] =	dma.local [hbm:s3], $0xF7A  }
0x26: {  	[smem:$0x3F9A] =	sst s1;
	(tag) =	ssettag s2;
	_ =	strace s9  }
0x27: {  	s1 =	sld [smem:$0x3FAA]  }
0x28: {  	s2 =	sld [smem:$0x3FAB]  }
0x29: {  	s4 =	sld [smem:$0x3FAD]  }
0x2a: {  	p0 =	seq.s32 s5, $0x0;
	s5 =	sld [smem:$0x3FAE]  }
0x2b: {  	s6 =	sld [smem:$0x3FAF]  }
0x2c: {  	s7 =	sld [smem:$0x3FB0]  }
0x2d: {  	s3 =	simm.s32 $0x108;
	s8 =	sld [smem:$0x3FB1]  }
0x2e: {  	s3 =	simm.s32 @!p0 $0x1082;
	s9 =	sld [smem:$0x3FB2]  }
0x2f: {  	lr =	sadd.s32 s0, s3;
	s0 =	sld [smem:$0x3FA9]  }
0x30: {  	s3 =	sld [smem:$0x3FAC]  }
0x31: {  	[smem:$0x3FB5] =	sst s10  }
0x32: {  	s10 =	sld [smem:$0x3FB3];
	_ =	sdelay $0x3  }
0x33: {  	p0 =	seq.s32 s10, $0x1;
	s10 =	sld [smem:$0x3FB5];
	_ =	sdelay $0x3  }
0x34: {  	[smem:$0x3FB5] =	sst s10  }
0x35: {  	s10 =	sld [smem:$0x3FB4];
	_ =	sdelay $0x3  }
0x36: {  	p1 =	seq.s32 s10, $0x1;
	s10 =	sld [smem:$0x3FB5];
	_ =	sdelay $0x3  }
0x37: {  	[smem:$0x3FB5] =	sst s10  }
0x38: {  	s10 =	sld [smem:$0x3FB6]  }
0x39: {  	_ = 	snop;
	(pc) =	sbr.ind lr, $3  }
0x3a: {  	_ = 	snop  }
0x3b: {  	_ = 	snop  }
0x3c: {  	p2 =	seq.s32 s10, $0x1;
	s10 =	sld [smem:$0x3FB5]  }
0x3d: {  	_ =	shalt  }
0x3e: {  	_ =	shalt  }
0x3f: {  	_ =	shalt  }
0x40: {  	_ =	shalt  }
0x41: {  	_ =	shalt  }
0x42: {  	_ =	shalt  }
0x43: {  	_ =	shalt  }
0x44: {  	_ =	shalt  }
0x45: {  	_ =	shalt  }
0x46: {  	_ =	shalt  }
0x47: {  	_ =	shalt  }
0x48: {  	_ =	shalt  }
0x49: {  	_ =	shalt  }
0x4a: {  	_ =	shalt  }
0x4b: {  	_ =	shalt  }
0x4c: {  	_ =	shalt  }
0x4d: {  	_ =	shalt  }
0x4e: {  	_ =	shalt  }
0x4f: {  	_ =	shalt  }
0x50: {  	_ =	shalt  }
0x51: {  	_ =	shalt  }
0x52: {  	_ =	shalt  }
0x53: {  	_ =	shalt  }
0x54: {  	_ =	shalt  }
0x55: {  	_ =	shalt  }
0x56: {  	_ =	shalt  }
0x57: {  	_ =	shalt  }
0x58: {  	_ =	shalt  }
0x59: {  	_ =	shalt  }
0x5a: {  	_ =	shalt  }
0x5b: {  	_ =	shalt  }
0x5c: {  	_ =	shalt  }
0x5d: {  	_ =	shalt  }
0x5e: {  	_ =	shalt  }
0x5f: {  	_ =	shalt  }
0x60: {  	_ =	shalt  }
0x61: {  	_ =	shalt  }
0x62: {  	_ =	shalt  }
0x63: {  	_ =	shalt  }
0x64: {  	_ =	shalt  }
0x65: {  	_ =	shalt  }
0x66: {  	_ =	shalt  }
0x67: {  	_ =	shalt  }
0x68: {  	_ =	shalt  }
0x69: {  	_ =	shalt  }
0x6a: {  	_ =	shalt  }
0x6b: {  	_ =	shalt  }
0x6c: {  	_ =	shalt  }
0x6d: {  	_ =	shalt  }
0x6e: {  	_ =	shalt  }
0x6f: {  	_ =	shalt  }
0x70: {  	_ =	shalt  }
0x71: {  	_ =	shalt  }
0x72: {  	_ =	shalt  }
0x73: {  	_ =	shalt  }
0x74: {  	_ =	shalt  }
0x75: {  	_ =	shalt  }
0x76: {  	_ =	shalt  }
0x77: {  	_ =	shalt  }
0x78: {  	_ =	shalt  }
0x79: {  	_ =	shalt  }
0x7a: {  	_ =	shalt  }
0x7b: {  	_ =	shalt  }
0x7c: {  	_ =	shalt  }
0x7d: {  	_ =	shalt  }
0x7e: {  	_ =	shalt  }
0x7f: {  	_ =	shalt  }
0x80: {  	_ =	shalt  }
0x81: {  	_ =	shalt  }
0x82: {  	_ =	shalt  }
0x83: {  	_ =	shalt  }
0x84: {  	_ =	shalt  }
0x85: {  	_ =	shalt  }
0x86: {  	_ =	shalt  }
0x87: {  	_ =	shalt  }
.Lfunc_end0:
.L_simem_size_0:
called_computation_lowered:
.L_overlay_start_0:
0x88: {  	s2 =	sld [smem:$0x3FD9]  }
0x89: {  	s3 =	sld [smem:$0x3FFE];
	_ =	sdelay $0x1  }
0x8a: {  	s1 =	srdreg.scid  }
0x8b: {  	s0 =	sand.u32 $0x1, s1  }
0x8c: {  	s17 =	sshll.u32 s0, $0xA;
	s2 =	sadd.s32 s3, s2  }
0x8d: {  	s2 =	sadd.s32 s2, s17  }
0x8e: {  	[smem:$0x3FC1] =	sst s2  }
0x8f: {  	_ = 	snop  }
0x90: {  	s2 =	sld [smem:$0x3FC7]  }
0x91: {  	s18 =	sld [smem:$0x3FC6]  }
0x92: {  	s4 =	sld [smem:$0x3FC3]  }
0x93: {  	s5 =	sld [smem:$0x3FD0];
	(tm) =	ssettm $0x1  }
0x94: {  	s6 =	sld [smem:$0x3FFB];
	_ =	sdelay $0x3  }
0x95: {  	_ =	strace s6  }
0x96: {  	s6 =	sld [smem:$0x3FFC];
	_ =	sdelay $0x3  }
0x97: {  	_ =	strace s6  }
0x98: {  	s6 =	sld [smem:$0x3FFD];
	_ =	sdelay $0x3  }
0x99: {  	_ =	strace s6  }
0x9a: {  	_ =	strace $0x8FFFFFFF  }
0x9b: {  	s19 =	sld [smem:$0x3FDB];
	_ =	sdelay $0x1  }
0x9c: {  	s7 =	simm.s32 $_scs_section_size  }
0x9d: {  	s8 =	simm.s32 $_size__tile_overlayer_lowered;
	s9 =	simm.s32 $_tile_overlayer_lowered  }
0x9e: {  	s22 =	simm.s32 $0x1BFF;
	s21 =	sshll.u32 s9, $0x1;
	s6 =	sadd.s32 s7, s19  }
0x9f: {  	s10 =	simm.s32 $0x0;
	s20 =	sshll.u32 s8, $0x1;
	s8 =	sadd.s32 s21, s6  }
0xa0: {  	[timem:s10], [sflag:s22] =	dma.local [hbm:s8], s20  }
0xa1: {  	_ =	swait.ge [sflag:s22], s20  }
0xa2: {  	s7 =	ssub.s32 $0x0, s20;
	[sflag:s22] =	ssyncset.done $0x0  }
0xa3: {  	[sflag:s22] =	ssyncadd.s32 s7;
	_ =	sdelay $0x1  }
0xa4: {  	s23 =	simm.s32 $0x1B8B  }
0xa5: {  	_ =	swait.ge [sflag:s23], $0x1  }
0xa6: {  	[sflag:s23] =	ssyncset.done $0x0  }
0xa7: {  	s25 =	simm.s32 $0x1B8E;
	s24 =	sld [smem:$0x3FFE];
	[sflag:s23] =	ssyncadd.s32 $0xFFFFFFFF  }
0xa8: {  	s26 =	simm.s32 $execute0_lowered;
	[smem:$0x3FD2] =	sst s25  }
0xa9: {  	s8 =	sshll.u32 s26, $0x1;
	_ =	strace $0x80000046;
	[dreg:$0x1] =	wrdreg $0xFFFFFFFF  }
0xaa: {  	s28 =	simm.s32 $_size_execute0_lowered;
	s6 =	sadd.s32 s6, s8;
	[dreg:$0x0] =	wrdreg $0x0  }
0xab: {  	s8 =	sshll.u32 s28, $0x1;
	[dreg:$0x2] =	wrdreg s6  }
0xac: {  	[dreg:$0x3] =	wrdreg s8  }
0xad: {  	[dreg:$0x4] =	wrdreg $0xC0  }
0xae: {  	_ =	task [dreg:s10], $0x5FFFF  }
0xaf: {  	[dreg:$0x1] =	wrdreg $0xFFFFFFFF  }
0xb0: {  	[dreg:$0x0] =	wrdreg $0x60  }
0xb1: {  	[dreg:$0x2] =	wrdreg s24  }
0xb2: {  	[dreg:$0x3] =	wrdreg s2  }
0xb3: {  	[dreg:$0x4] =	wrdreg s18  }
0xb4: {  	[dreg:$0x5] =	wrdreg s4  }
0xb5: {  	[dreg:$0x6] =	wrdreg s5  }
0xb6: {  	[dreg:$0x7] =	wrdreg $0x9  }
0xb7: {  	_ =	task.clear_ibuf [dreg:s10], $0x8FFFF;
	_ =	strace $0x90000046  }
0xb8: {  	s29 =	simm.s32 $0x9;
	_ =	strace $0x80000048  }
0xb9: {  	_ =	swait.ge [sflag:s29], $0x1  }
0xba: {  	[sflag:s29] =	ssyncadd.s32 $0xFFFFFFFF  }
0xbb: {  	_ =	strace $0x90000048  }
0xbc: {  	_ =	sfence  }
0xbd: {  	s30 =	sld [smem:$0x0];
	_ =	sdelay $0x2  }
0xbe: {  	s31 =	sshll.u32 s1, $0xD;
	s1 =	sshrl.u32 s1, $0x2  }
0xbf: {  	s3 =	sand.u32 $0x4000, s31;
	s1 =	sadd.s32 s1, s30  }
0xc0: {  	s0 =	sor.u32 s3, s0;
	s1 =	sshll.u32 s1, $0x11  }
0xc1: {  	s0 =	sor.u32 s1, s0  }
0xc2: {  	s0 =	sadd.s32 $0x8F2B, s0  }
0xc3: {  	[sflag:s0] =	ssyncadd.remote.s32 $0x1  }
0xc4: {  	_ =	sfence.sel $0xFFFF  }
0xc5: {  	[dreg:$0x0] =	wrdreg $0xFFFFFFFF;
	(pc) =	sbr.abs _section_cstart, $3  }
0xc6: {  	[dreg:$0x1] =	wrdreg $0xFFFFFFFF  }
0xc7: {  	_ =	task.clear_ibuf [dreg:s10], $0x2FFFF;
	_ =	strace $0x9FFFFFFF  }
0xc8: {  	(tm) =	ssettm $0x7FFFFFFF  }
0xc9: {  	_ =	shalt  }
tec
execute0_lowered:
.L_overlay_start_1:
0x0: {  	(tag) =	ssettag $0x1  }
0x1: {  	v0 =	vimm.s32 $0xFEDCBA9  }
0x2: {  	v2 =	vimm.s32 $0x87654321;
	v3 =	vimm.s32 $0x98765432;
	v4 =	vimm.s32 $0x210FEDCB  }
0x3: {  	v5 =	vimm.s32 $0xA9876543;
	v15 =	vimm.s32 $0xCBA98765;
	v17 =	vimm.s32 $0x6543210F  }
0x4: {  	v18 =	vimm.s32 $0xEDCBA987;
	v19 =	vimm.s32 $0xFEDCBA98;
	v20 =	vimm.s32 $0x76543210  }
0x5: {  	v1 =	vunpack.c.l.s4.s8 v0;
	v0 =	vlaneseq.u32;
	v3 =	vunpack.c.l.s4.s8 v3  }
0x6: {  	v4 =	vunpack.c.l.s4.s8 v4;
	v17 =	vunpack.c.l.s4.s8 v17;
	v18 =	vunpack.c.l.s4.s8 v18  }
0x7: {  	v19 =	vunpack.c.l.s4.s8 v19;
	v7 =	vunpack.c.0.s8.s32 v1;
	v1 =	vunpack.c.l.s4.s8 v2  }
0x8: {  	v2 =	vimm.s32 $0x10FEDCBA;
	v10 =	vunpack.c.0.s8.s32 v3;
	v11 =	vunpack.c.0.s8.s32 v4  }
0x9: {  	v17 =	vunpack.c.0.s8.s32 v17;
	v18 =	vunpack.c.0.s8.s32 v18;
	v2 =	vunpack.c.l.s4.s8 v2  }
0xa: {  	v19 =	vunpack.c.0.s8.s32 v19;
	v8 =	vunpack.c.0.s8.s32 v1;
	v1 =	vunpack.c.l.s4.s8 v5  }
0xb: {  	s0 =	rddreg [dreg:$0x0];
	v23 =	vcombine.low v18, v17;
	v9 =	vunpack.c.0.s8.s32 v2;
	v2 =	vimm.s32 $0x3210FEDC  }
0xc: {  	s1 =	rddreg [dreg:$0x1];
	v19 =	vand.u32 $0xF, v19;
	v12 =	vunpack.c.0.s8.s32 v1;
	v1 =	vunpack.c.l.s4.s8 v2  }
0xd: {  	s5 =	rddreg [dreg:$0x2];
	v2 =	vimm.s32 $0xBA987654;
	v3 =	vcombine.low v8, v7;
	v63 =	vcombine.low v7, v8  }
0xe: {  	s10 =	rddreg [dreg:$0x4];
	v8 =	vand.u32 $0xF, v23;
	v4 =	vcombine.low v10, v9;
	v2 =	vunpack.c.l.s4.s8 v2  }
0xf: {  	s2 =	simm.s32 $0x0;
	s6 =	srdreg.scid;
	s11 =	stileid.u32;
	v10 =	vcombine.low v9, v10;
	v5 =	vcombine.low v12, v11;
	v13 =	vunpack.c.0.s8.s32 v1  }
0x10: {  	s13 =	simm.s32 $0x200;
	s14 =	simm.s32 $0xA400;
	s15 =	simm.s32 $0x80;
	v1 =	vimm.s32 $0x43210FED;
	v11 =	vcombine.low v11, v12;
	v14 =	vunpack.c.0.s8.s32 v2  }
0x11: {  	s17 =	simm.s32 $0x1;
	s19 =	simm.s32 $0x8400;
	s20 =	simm.s32 $0x9400;
	v6 =	vunpack.c.l.s4.s8 v1;
	v2 =	vand.u32 $0xF, v4;
	v4 =	vunpack.c.l.s4.s8 v15  }
0x12: {  	s22 =	simm.s32 $0x280;
	s29 =	simm.s32 $0x300;
	s16 =	simm.s32 $0x380;
	v9 =	vand.u32 $0xF, v63;
	v1 =	vand.u32 $0xF, v3;
	v10 =	vand.u32 $0xF, v10  }
0x13: {  	s18 =	simm.s32 $0x7400;
	s21 =	simm.s32 $0x9000;
	s23 =	simm.s32 $0xA000;
	v3 =	vand.u32 $0xF, v5;
	v15 =	vunpack.c.0.s8.s32 v6;
	v16 =	vunpack.c.0.s8.s32 v4  }
0x14: {  	s26 =	simm.s32 $0x100;
	s24 =	simm.s32 $0xA410;
	s25 =	simm.s32 $0xC410;
	v4 =	vimm.s32 $0x543210FE;
	v6 =	vimm.s32 $0xDCBA9876;
	v12 =	vcombine.low v13, v14  }
0x15: {  	s28 =	simm.s32 $0x0;
	[smem:$0x7FF] =	sst s2;
	s3 =	sadd.s32 $0x14FBC00, s0;
	v11 =	vand.u32 $0xF, v11;
	v4 =	vunpack.c.l.s4.s8 v4;
	v6 =	vunpack.c.l.s4.s8 v6  }
0x16: {  	s4 =	sadd.s32 $0x112B200, s0;
	s7 =	sand.u32 $0x1, s6;
	s6 =	sadd.s32 $0xF4A00, s0;
	v5 =	vcombine.low v14, v13;
	v13 =	vcombine.low v15, v16;
	v12 =	vand.u32 $0xF, v12  }
0x17: {  	s11 =	sshll.u32 s11, $0x7;
	_ =	strace $0x80000047;
	s8 =	ssub.s32 $0x2, s7;
	v21 =	vunpack.c.0.s8.s32 v4;
	v22 =	vunpack.c.0.s8.s32 v6;
	v6 =	vunpack.c.l.s4.s8 v20  }
0x18: {  	s12 =	sshll.u32 s7, $0x6;
	s7 =	sadd.s32 $0x600, s0;
	s0 =	simm.s32 $0x3400;
	v4 =	vand.u32 $0xF, v5;
	v5 =	vcombine.low v16, v15;
	v15 =	vcombine.low v17, v18  }
0x19: {  	s9 =	sshrl.u32 s8, $0x1;
	s11 =	sor.u32 s12, s11;
	s12 =	simm.s32 $0x2;
	v6 =	vunpack.c.0.s8.s32 v6;
	v62 =	vcombine.low v22, v21;
	v14 =	vcombine.low v21, v22  }
0x1a: {  	s31 =	ssub.s32 s8, s9;
	s8 =	sadd.s32 s1, s11;
	s9 =	sadd.s32 s5, s11;
	v13 =	vand.u32 $0xF, v13;
	v5 =	vand.u32 $0xF, v5;
	v15 =	vand.u32 $0xF, v15  }
0x1b: {  	s10 =	sadd.s32 s10, s11;
	s5 =	simm.s32 $0x180;
	s11 =	smax.u32 s31, $0x1;
	v6 =	vcombine.low v19, v6;
	v7 =	vand.u32 $0xF, v62;
	v14 =	vand.u32 $0xF, v14  }
.LBB2_1:
0x1c: {  	[tilespmem:s2], [sflag:$0x2] =	stream.linear.gather [hbm4b:s8+s2], $0x200, $0x38;
	[tilespmem:$0xC610] =	vst v63  }
0x1d: {  	_ =	swait.ge [sflag:s12], $0x200  }
0x1e: {  	[sflag:s12] =	ssyncset.done $0x0  }
0x1f: {  	[sflag:s12] =	ssyncadd.s32 $0xFFFFFE00  }
0x20: {  	[tilespmem:s13], [sflag:$0x2] =	stream.linear.gather [hbm4b:s9+s2], $0x200, $0x38;
	[tilespmem:$0xC610] =	vst v63  }
0x21: {  	_ =	swait.ge [sflag:s12], $0x200  }
0x22: {  	[sflag:s12] =	ssyncset.done $0x0  }
0x23: {  	[sflag:s12] =	ssyncadd.s32 $0xFFFFFE00  }
0x24: {  	s1 =	rddreg [dreg:$0x3]  }
0x25: {  	[tilespmem:s14], [sflag:$0x2] =	stream.linear.gather [hbm4b:s1+s2], $0x1, $0x38;
	[tilespmem:$0xC610] =	vst v63  }
0x26: {  	_ =	swait.ge [sflag:s12], $0x1  }
0x27: {  	[sflag:s12] =	ssyncset.done $0x0  }
0x28: {  	s1 =	simm.s32 $0x400;
	[sflag:s12] =	ssyncadd.s32 $0xFFFFFFFF  }
0x29: {  	[tilespmem:s1], [sflag:$0x1] =	stream.indirect.gather [hbm4b:s3+s15], $0x20, s2, s15, $0xb8;
	[tilespmem:$0xC610] =	vst v63  }
0x2a: {  	_ =	swait.ge [sflag:s17], $0x1000  }
0x2b: {  	[sflag:s17] =	ssyncset.done $0x0  }
0x2c: {  	s1 =	simm.s32 $0x4400;
	[sflag:s17] =	ssyncadd.s32 $0xFFFFF000  }
0x2d: {  	[tilespmem:s1], [sflag:$0x1] =	stream.indirect.gather [hbm4b:s4+s15], $0x20, s13, s15, $0xb8;
	[tilespmem:$0xC610] =	vst v63  }
0x2e: {  	_ =	swait.ge [sflag:s17], $0x1000  }
0x2f: {  	[sflag:s17] =	ssyncset.done $0x0  }
0x30: {  	[sflag:s17] =	ssyncadd.s32 $0xFFFFF000  }
0x31: {  	[tilespmem:s19], [sflag:$0x1] =	stream.indirect.gather [hbm4b:s6+s15], $0x1, s2, s15, $0xb8;
	[tilespmem:$0xC610] =	vst v63  }
0x32: {  	_ =	swait.ge [sflag:s17], $0x80  }
0x33: {  	[sflag:s17] =	ssyncset.done $0x0  }
0x34: {  	[sflag:s17] =	ssyncadd.s32 $0xFFFFFF80  }
0x35: {  	[tilespmem:s20], [sflag:$0x1] =	stream.indirect.gather [hbm4b:s7+s15], $0x1, s13, s15, $0xb8;
	[tilespmem:$0xC610] =	vst v63  }
0x36: {  	_ =	swait.ge [sflag:s17], $0x80  }
0x37: {  	[sflag:s17] =	ssyncset.done $0x0  }
0x38: {  	s1 =	simm.s32 $0x1400;
	[sflag:s17] =	ssyncadd.s32 $0xFFFFFF80  }
0x39: {  	[tilespmem:s1], [sflag:$0x1] =	stream.indirect.gather [hbm4b:s3+s15], $0x20, s15, s15, $0xb8;
	[tilespmem:$0xC610] =	vst v63  }
0x3a: {  	_ =	swait.ge [sflag:s17], $0x1000  }
0x3b: {  	[sflag:s17] =	ssyncset.done $0x0  }
0x3c: {  	s1 =	simm.s32 $0x5400;
	[sflag:s17] =	ssyncadd.s32 $0xFFFFF000  }
0x3d: {  	[tilespmem:s1], [sflag:$0x1] =	stream.indirect.gather [hbm4b:s4+s15], $0x20, s22, s15, $0xb8;
	[tilespmem:$0xC610] =	vst v63  }
0x3e: {  	_ =	swait.ge [sflag:s17], $0x1000  }
0x3f: {  	[sflag:s17] =	ssyncset.done $0x0  }
0x40: {  	s1 =	simm.s32 $0x8800;
	[sflag:s17] =	ssyncadd.s32 $0xFFFFF000  }
0x41: {  	[tilespmem:s1], [sflag:$0x1] =	stream.indirect.gather [hbm4b:s6+s15], $0x1, s15, s15, $0xb8;
	[tilespmem:$0xC610] =	vst v63  }
0x42: {  	_ =	swait.ge [sflag:s17], $0x80  }
0x43: {  	[sflag:s17] =	ssyncset.done $0x0  }
0x44: {  	s1 =	simm.s32 $0x9800;
	[sflag:s17] =	ssyncadd.s32 $0xFFFFFF80  }
0x45: {  	[tilespmem:s1], [sflag:$0x1] =	stream.indirect.gather [hbm4b:s7+s15], $0x1, s22, s15, $0xb8;
	[tilespmem:$0xC610] =	vst v63  }
0x46: {  	_ =	swait.ge [sflag:s17], $0x80  }
0x47: {  	[sflag:s17] =	ssyncset.done $0x0  }
0x48: {  	s1 =	simm.s32 $0x2400;
	[sflag:s17] =	ssyncadd.s32 $0xFFFFFF80  }
0x49: {  	[tilespmem:s1], [sflag:$0x1] =	stream.indirect.gather [hbm4b:s3+s15], $0x20, s26, s15, $0xb8;
	[tilespmem:$0xC610] =	vst v63  }
0x4a: {  	_ =	swait.ge [sflag:s17], $0x1000  }
0x4b: {  	[sflag:s17] =	ssyncset.done $0x0  }
0x4c: {  	s1 =	simm.s32 $0x6400;
	[sflag:s17] =	ssyncadd.s32 $0xFFFFF000  }
0x4d: {  	[tilespmem:s1], [sflag:$0x1] =	stream.indirect.gather [hbm4b:s4+s15], $0x20, s29, s15, $0xb8;
	[tilespmem:$0xC610] =	vst v63  }
0x4e: {  	_ =	swait.ge [sflag:s17], $0x1000  }
0x4f: {  	[sflag:s17] =	ssyncset.done $0x0  }
0x50: {  	s1 =	simm.s32 $0x8C00;
	[sflag:s17] =	ssyncadd.s32 $0xFFFFF000  }
0x51: {  	[tilespmem:s1], [sflag:$0x1] =	stream.indirect.gather [hbm4b:s6+s15], $0x1, s26, s15, $0xb8;
	[tilespmem:$0xC610] =	vst v63  }
0x52: {  	_ =	swait.ge [sflag:s17], $0x80  }
0x53: {  	[sflag:s17] =	ssyncset.done $0x0  }
0x54: {  	s1 =	simm.s32 $0x9C00;
	[sflag:s17] =	ssyncadd.s32 $0xFFFFFF80  }
0x55: {  	[tilespmem:s1], [sflag:$0x1] =	stream.indirect.gather [hbm4b:s7+s15], $0x1, s29, s15, $0xb8;
	[tilespmem:$0xC610] =	vst v63  }
0x56: {  	_ =	swait.ge [sflag:s17], $0x80  }
0x57: {  	[sflag:s17] =	ssyncset.done $0x0  }
0x58: {  	[sflag:s17] =	ssyncadd.s32 $0xFFFFFF80  }
0x59: {  	[tilespmem:s0], [sflag:$0x1] =	stream.indirect.gather [hbm4b:s3+s15], $0x20, s5, s15, $0xb8;
	[tilespmem:$0xC610] =	vst v63  }
0x5a: {  	_ =	swait.ge [sflag:s17], $0x1000  }
0x5b: {  	[sflag:s17] =	ssyncset.done $0x0  }
0x5c: {  	[sflag:s17] =	ssyncadd.s32 $0xFFFFF000  }
0x5d: {  	[tilespmem:s18], [sflag:$0x1] =	stream.indirect.gather [hbm4b:s4+s15], $0x20, s16, s15, $0xb8;
	[tilespmem:$0xC610] =	vst v63  }
0x5e: {  	_ =	swait.ge [sflag:s17], $0x1000  }
0x5f: {  	[sflag:s17] =	ssyncset.done $0x0  }
0x60: {  	[sflag:s17] =	ssyncadd.s32 $0xFFFFF000  }
0x61: {  	[tilespmem:s21], [sflag:$0x1] =	stream.indirect.gather [hbm4b:s6+s15], $0x1, s5, s15, $0xb8;
	[tilespmem:$0xC610] =	vst v63  }
0x62: {  	_ =	swait.ge [sflag:s17], $0x80  }
0x63: {  	[sflag:s17] =	ssyncset.done $0x0  }
0x64: {  	[sflag:s17] =	ssyncadd.s32 $0xFFFFFF80  }
0x65: {  	[tilespmem:s23], [sflag:$0x1] =	stream.indirect.gather [hbm4b:s7+s15], $0x1, s16, s15, $0xb8;
	[tilespmem:$0xC610] =	vst v63  }
0x66: {  	_ =	swait.ge [sflag:s17], $0x80  }
0x67: {  	[sflag:s17] =	ssyncset.done $0x0  }
0x68: {  	s1 =	simm.s32 $0x0;
	[sflag:s17] =	ssyncadd.s32 $0xFFFFFF80  }
0x69: {  	v16 =	vld [tilespmem:s1+$0x4400]  }
0x6a: {  	v17 =	vld [tilespmem:s1+$0x400]  }
0x6b: {  	v18 =	vld [tilespmem:s1+$0x410]  }
0x6c: {  	v19 =	vld [tilespmem:s1+$0x4410];
	_ =	sdelay $0x4  }
0x6d: {  	v16 =	vmul.f32 v16, v17;
	v17 =	vmul.f32 v19, v18;
	_ =	sdelay $0x1  }
0x6e: {  	v17 =	vadd.f32 v17, v16;
	_ =	sdelay $0x1  }
0x6f: {  	s1 =	simm.s32 $0x20;
	v16 =	vld.msk [tilespmem:s14+$0x0], $0xffff;
	[tilespmem:s24+$0x0] =	vst v17  }
0x70: {  	v17 =	vld [tilespmem:s1+$0x4400]  }
0x71: {  	v18 =	vld [tilespmem:s1+$0x400]  }
0x72: {  	s31 =	simm.s32 $0x100;
	s30 =	simm.s32 $0xA410;
	v19 =	vld [tilespmem:s1+$0x410]  }
.LBB2_2:
0x73: {  	p0 =	sne.s32 s31, $0xFF80;
	v20 =	vld [tilespmem:s1+$0x4410];
	_ =	sdelay $0x4  }
0x74: {  	v17 =	vmul.f32 v17, v18;
	v18 =	vmul.f32 v20, v19;
	_ =	sdelay $0x1  }
0x75: {  	v17 =	vadd.f32 v18, v17  }
.Ltmp0:
0x76: {  	s30 =	sadd.s32 $0x10, s30;
	(pc) =	sbr.rel @p0 .LBB2_2-.Ltmp0, $4  }
0x77: {  	s1 =	sshra.s32 s31, $0x2;
	[tilespmem:s30+$0x0] =	vst v17  }
0x78: {  	v17 =	vld [tilespmem:s1+$0x4400]  }
0x79: {  	v18 =	vld [tilespmem:s1+$0x400]  }
0x7a: {  	s31 =	sadd.s32 $0x80, s31;
	v19 =	vld [tilespmem:s1+$0x410]  }
0x7b: {  	v20 =	vld [tilespmem:s1+$0x4410];
	_ =	sdelay $0x2  }
0x7c: {  	s1 =	simm.s32 $0x0  }
0x7d: {  	v21 =	vor.u32 s1, v0  }
0x7e: {  	v17 =	vmul.f32 v17, v18;
	v18 =	vmul.f32 v20, v19;
	v19 =	vshll.u32 v21, $0x3;
	_ =	sdelay $0x1  }
0x7f: {  	v17 =	vadd.f32 v18, v17  }
0x80: {  	s1 =	sadd.s32 $0x10, s30  }
0x81: {  	[tilespmem:s1+$0x0] =	vst v17;
	v17 =	vshll.u32 v21, $0x4  }
0x82: {  	v18 =	vld.idx.msk [tilespmem:v19+s20+$0x0], $0xffff;
	v20 =	vor.u32 v0, v17  }
0x83: {  	v19 =	vld.idx.msk [tilespmem:v19+s19+$0x0], $0xffff  }
0x84: {  	v21 =	vor.u32 v1, v17;
	_ =	sdelay $0x1  }
0x85: {  	v22 =	vor.u32 v2, v17  }
0x86: {  	v20 =	vld.idx.msk [tilespmem:v20+s24+$0x0], $0xffff  }
0x87: {  	v23 =	vor.u32 v3, v17;
	v18 =	vadd.f32 v18, v19  }
0x88: {  	v19 =	vld.idx.msk [tilespmem:v21+s24+$0x0], $0xffff  }
0x89: {  	v21 =	vor.u32 v4, v17;
	v18 =	vadd.f32 v18, v16  }
0x8a: {  	v22 =	vld.idx.msk [tilespmem:v22+s24+$0x0], $0xffff  }
0x8b: {  	v24 =	vor.u32 v5, v17;
	v18 =	vadd.f32 v18, v20  }
0x8c: {  	v20 =	vld.idx.msk [tilespmem:v23+s24+$0x0], $0xffff  }
0x8d: {  	v23 =	vor.u32 v7, v17;
	v18 =	vadd.f32 v18, v19  }
0x8e: {  	v19 =	vld.idx.msk [tilespmem:v21+s24+$0x0], $0xffff  }
0x8f: {  	v21 =	vor.u32 v8, v17;
	v18 =	vadd.f32 v18, v22  }
0x90: {  	v22 =	vld.idx.msk [tilespmem:v24+s24+$0x0], $0xffff  }
0x91: {  	v57 =	vor.u32 v6, v17;
	v18 =	vadd.f32 v18, v20  }
0x92: {  	v20 =	vld.idx.msk [tilespmem:v23+s24+$0x0], $0xffff  }
0x93: {  	v23 =	vor.u32 v9, v17;
	v18 =	vadd.f32 v18, v19  }
0x94: {  	v19 =	vld.idx.msk [tilespmem:v21+s24+$0x0], $0xffff  }
0x95: {  	v21 =	vor.u32 v10, v17;
	v18 =	vadd.f32 v18, v22  }
0x96: {  	v22 =	vld.idx.msk [tilespmem:v57+s24+$0x0], $0xffff  }
0x97: {  	v58 =	vor.u32 v11, v17;
	v18 =	vadd.f32 v18, v20  }
0x98: {  	v20 =	vld.idx.msk [tilespmem:v23+s24+$0x0], $0xffff  }
0x99: {  	v23 =	vor.u32 v12, v17;
	v18 =	vadd.f32 v18, v19  }
0x9a: {  	v19 =	vld.idx.msk [tilespmem:v21+s24+$0x0], $0xffff  }
0x9b: {  	v21 =	vor.u32 v13, v17;
	v18 =	vadd.f32 v18, v22  }
0x9c: {  	v22 =	vld.idx.msk [tilespmem:v58+s24+$0x0], $0xffff  }
0x9d: {  	v59 =	vor.u32 v14, v17;
	v18 =	vadd.f32 v18, v20  }
0x9e: {  	v20 =	vld.idx.msk [tilespmem:v23+s24+$0x0], $0xffff  }
0x9f: {  	v17 =	vor.u32 v15, v17;
	v18 =	vadd.f32 v18, v19  }
0xa0: {  	v19 =	vld.idx.msk [tilespmem:v21+s24+$0x0], $0xffff  }
0xa1: {  	v18 =	vadd.f32 v18, v22  }
0xa2: {  	v21 =	vld.idx.msk [tilespmem:v59+s24+$0x0], $0xffff  }
0xa3: {  	v18 =	vadd.f32 v18, v20  }
0xa4: {  	v17 =	vld.idx.msk [tilespmem:v17+s24+$0x0], $0xffff  }
0xa5: {  	s1 =	simm.s32 $0x10;
	v18 =	vadd.f32 v18, v19  }
0xa6: {  	v19 =	vor.u32 s1, v0  }
0xa7: {  	v20 =	vshll.u32 v19, $0x3;
	v18 =	vadd.f32 v18, v21;
	_ =	sdelay $0x1  }
0xa8: {  	v17 =	vadd.f32 v18, v17  }
0xa9: {  	s30 =	simm.s32 $0xC410  }
0xaa: {  	v18 =	vshll.u32 v19, $0x4;
	[tilespmem:s30+$0x0] =	vst v17  }
0xab: {  	v19 =	vor.u32 v0, v18;
	v17 =	vld.idx.msk [tilespmem:v20+s20+$0x0], $0xffff  }
0xac: {  	v20 =	vld.idx.msk [tilespmem:v20+s19+$0x0], $0xffff  }
0xad: {  	v21 =	vor.u32 v1, v18;
	_ =	sdelay $0x1  }
0xae: {  	v22 =	vor.u32 v2, v18  }
0xaf: {  	v19 =	vld.idx.msk [tilespmem:v19+s24+$0x0], $0xffff  }
0xb0: {  	v23 =	vor.u32 v3, v18;
	v17 =	vadd.f32 v17, v20  }
0xb1: {  	v20 =	vld.idx.msk [tilespmem:v21+s24+$0x0], $0xffff  }
0xb2: {  	v21 =	vor.u32 v4, v18;
	v17 =	vadd.f32 v17, v16  }
0xb3: {  	v22 =	vld.idx.msk [tilespmem:v22+s24+$0x0], $0xffff  }
0xb4: {  	v60 =	vor.u32 v5, v18;
	v17 =	vadd.f32 v17, v19  }
0xb5: {  	v19 =	vld.idx.msk [tilespmem:v23+s24+$0x0], $0xffff  }
0xb6: {  	v23 =	vor.u32 v7, v18;
	v17 =	vadd.f32 v17, v20  }
0xb7: {  	v20 =	vld.idx.msk [tilespmem:v21+s24+$0x0], $0xffff  }
0xb8: {  	v21 =	vor.u32 v8, v18;
	v17 =	vadd.f32 v17, v22  }
0xb9: {  	v22 =	vld.idx.msk [tilespmem:v60+s24+$0x0], $0xffff  }
0xba: {  	v61 =	vor.u32 v6, v18;
	v17 =	vadd.f32 v17, v19  }
0xbb: {  	v19 =	vld.idx.msk [tilespmem:v23+s24+$0x0], $0xffff  }
0xbc: {  	v23 =	vor.u32 v9, v18;
	v17 =	vadd.f32 v17, v20  }
0xbd: {  	v20 =	vld.idx.msk [tilespmem:v21+s24+$0x0], $0xffff  }
0xbe: {  	v21 =	vor.u32 v10, v18;
	v17 =	vadd.f32 v17, v22  }
0xbf: {  	v22 =	vld.idx.msk [tilespmem:v61+s24+$0x0], $0xffff  }
0xc0: {  	v62 =	vor.u32 v11, v18;
	v17 =	vadd.f32 v17, v19  }
0xc1: {  	v19 =	vld.idx.msk [tilespmem:v23+s24+$0x0], $0xffff  }
0xc2: {  	v23 =	vor.u32 v12, v18;
	v17 =	vadd.f32 v17, v20  }
0xc3: {  	v20 =	vld.idx.msk [tilespmem:v21+s24+$0x0], $0xffff;
	v21 =	vor.u32 v13, v18  }
0xc4: {  	v17 =	vadd.f32 v17, v22  }
0xc5: {  	v22 =	vld.idx.msk [tilespmem:v62+s24+$0x0], $0xffff  }
0xc6: {  	v63 =	vor.u32 v14, v18;
	v17 =	vadd.f32 v17, v19  }
0xc7: {  	v19 =	vld.idx.msk [tilespmem:v23+s24+$0x0], $0xffff  }
0xc8: {  	v17 =	vadd.f32 v17, v20;
	v20 =	vld.idx.msk [tilespmem:v21+s24+$0x0], $0xffff;
	v21 =	vor.u32 v15, v18;
	_ =	sdelay $0x1  }
0xc9: {  	v17 =	vadd.f32 v17, v22  }
0xca: {  	v22 =	vld.idx.msk [tilespmem:v63+s24+$0x0], $0xffff  }
0xcb: {  	v17 =	vadd.f32 v17, v19  }
0xcc: {  	v19 =	vld.idx.msk [tilespmem:v21+s24+$0x0], $0xffff  }
0xcd: {  	s1 =	simm.s32 $0x20;
	v20 =	vadd.f32 v17, v20  }
0xce: {  	v18 =	vor.u32 s1, v0  }
0xcf: {  	s31 =	simm.s32 $0x30;
	v17 =	vshll.u32 v18, $0x3;
	v20 =	vadd.f32 v20, v22  }
.LBB2_4:
0xd0: {  	p0 =	sne.s32 s31, $0x1F0  }
0xd1: {  	v19 =	vadd.f32 v20, v19  }
0xd2: {  	s30 =	sadd.s32 $0x10, s30  }
0xd3: {  	v18 =	vshll.u32 v18, $0x4;
	[tilespmem:s30+$0x0] =	vst v19  }
0xd4: {  	v20 =	vor.u32 v0, v18;
	v19 =	vld.idx.msk [tilespmem:v17+s20+$0x0], $0xffff  }
0xd5: {  	v17 =	vld.idx.msk [tilespmem:v17+s19+$0x0], $0xffff  }
0xd6: {  	v21 =	vor.u32 v1, v18;
	_ =	sdelay $0x1  }
0xd7: {  	v22 =	vor.u32 v2, v18  }
0xd8: {  	v20 =	vld.idx.msk [tilespmem:v20+s24+$0x0], $0xffff  }
0xd9: {  	v23 =	vor.u32 v3, v18  }
0xda: {  	v17 =	vadd.f32 v19, v17;
	v19 =	vld.idx.msk [tilespmem:v21+s24+$0x0], $0xffff  }
0xdb: {  	v21 =	vor.u32 v4, v18  }
0xdc: {  	v17 =	vadd.f32 v17, v16;
	v22 =	vld.idx.msk [tilespmem:v22+s24+$0x0], $0xffff  }
0xdd: {  	v24 =	vor.u32 v5, v18  }
0xde: {  	v17 =	vadd.f32 v17, v20;
	v20 =	vld.idx.msk [tilespmem:v23+s24+$0x0], $0xffff  }
0xdf: {  	v23 =	vor.u32 v7, v18  }
0xe0: {  	v17 =	vadd.f32 v17, v19;
	v19 =	vld.idx.msk [tilespmem:v21+s24+$0x0], $0xffff  }
0xe1: {  	v21 =	vor.u32 v8, v18  }
0xe2: {  	v17 =	vadd.f32 v17, v22;
	v22 =	vld.idx.msk [tilespmem:v24+s24+$0x0], $0xffff  }
0xe3: {  	v24 =	vor.u32 v6, v18  }
0xe4: {  	v17 =	vadd.f32 v17, v20;
	v20 =	vld.idx.msk [tilespmem:v23+s24+$0x0], $0xffff  }
0xe5: {  	v23 =	vor.u32 v9, v18  }
0xe6: {  	v17 =	vadd.f32 v17, v19;
	v19 =	vld.idx.msk [tilespmem:v21+s24+$0x0], $0xffff  }
0xe7: {  	v21 =	vor.u32 v10, v18  }
0xe8: {  	v17 =	vadd.f32 v17, v22;
	v22 =	vld.idx.msk [tilespmem:v24+s24+$0x0], $0xffff  }
0xe9: {  	v24 =	vor.u32 v11, v18  }
0xea: {  	v17 =	vadd.f32 v17, v20;
	v20 =	vld.idx.msk [tilespmem:v23+s24+$0x0], $0xffff  }
0xeb: {  	v23 =	vor.u32 v12, v18  }
0xec: {  	v17 =	vadd.f32 v17, v19;
	v19 =	vld.idx.msk [tilespmem:v21+s24+$0x0], $0xffff  }
0xed: {  	v21 =	vor.u32 v13, v18  }
0xee: {  	v17 =	vadd.f32 v17, v22;
	v22 =	vld.idx.msk [tilespmem:v24+s24+$0x0], $0xffff  }
0xef: {  	v24 =	vor.u32 v14, v18  }
0xf0: {  	v17 =	vadd.f32 v17, v20;
	v20 =	vld.idx.msk [tilespmem:v23+s24+$0x0], $0xffff  }
0xf1: {  	v18 =	vor.u32 v15, v18  }
0xf2: {  	v17 =	vadd.f32 v17, v19;
	v21 =	vld.idx.msk [tilespmem:v21+s24+$0x0], $0xffff;
	_ =	sdelay $0x1  }
0xf3: {  	v17 =	vadd.f32 v17, v22;
	v22 =	vld.idx.msk [tilespmem:v24+s24+$0x0], $0xffff;
	_ =	sdelay $0x1  }
.Ltmp1:
0xf4: {  	v17 =	vadd.f32 v17, v20;
	v19 =	vld.idx.msk [tilespmem:v18+s24+$0x0], $0xffff;
	(pc) =	sbr.rel @p0 .LBB2_4-.Ltmp1, $4  }
0xf5: {  	_ = 	snop  }
0xf6: {  	v20 =	vadd.f32 v17, v21  }
0xf7: {  	v18 =	vor.u32 s31, v0  }
0xf8: {  	s31 =	sadd.s32 $0x10, s31;
	v17 =	vshll.u32 v18, $0x3;
	v20 =	vadd.f32 v20, v22  }
0xf9: {  	_ = 	snop  }
0xfa: {  	v19 =	vadd.f32 v20, v19  }
0xfb: {  	s1 =	sadd.s32 $0x10, s30  }
0xfc: {  	v18 =	vshll.u32 v18, $0x4;
	[tilespmem:s1+$0x0] =	vst v19  }
0xfd: {  	v43 =	vor.u32 v0, v18;
	v19 =	vld.idx.msk [tilespmem:v17+s20+$0x0], $0xffff  }
0xfe: {  	v17 =	vld.idx.msk [tilespmem:v17+s19+$0x0], $0xffff  }
0xff: {  	v21 =	vor.u32 v1, v18;
	_ =	sdelay $0x1  }
0x100: {  	v22 =	vor.u32 v2, v18  }
0x101: {  	v20 =	vld.idx.msk [tilespmem:v43+s24+$0x0], $0xffff  }
0x102: {  	v23 =	vor.u32 v3, v18;
	v17 =	vadd.f32 v19, v17  }
0x103: {  	v44 =	vld.idx.msk [tilespmem:v21+s24+$0x0], $0xffff  }
0x104: {  	v45 =	vor.u32 v4, v18;
	v16 =	vadd.f32 v17, v16  }
0x105: {  	v17 =	vld.idx.msk [tilespmem:v22+s24+$0x0], $0xffff  }
0x106: {  	v46 =	vor.u32 v5, v18;
	v16 =	vadd.f32 v16, v20  }
0x107: {  	v47 =	vld.idx.msk [tilespmem:v23+s24+$0x0], $0xffff  }
0x108: {  	v48 =	vor.u32 v7, v18;
	v16 =	vadd.f32 v16, v44  }
0x109: {  	v49 =	vld.idx.msk [tilespmem:v45+s24+$0x0], $0xffff  }
0x10a: {  	v50 =	vor.u32 v8, v18;
	v16 =	vadd.f32 v16, v17  }
0x10b: {  	v17 =	vld.idx.msk [tilespmem:v46+s24+$0x0], $0xffff  }
0x10c: {  	v51 =	vor.u32 v6, v18;
	v16 =	vadd.f32 v16, v47  }
0x10d: {  	v52 =	vld.idx.msk [tilespmem:v48+s24+$0x0], $0xffff  }
0x10e: {  	v53 =	vor.u32 v9, v18;
	v16 =	vadd.f32 v16, v49  }
0x10f: {  	v54 =	vld.idx.msk [tilespmem:v50+s24+$0x0], $0xffff  }
0x110: {  	v55 =	vor.u32 v10, v18;
	v16 =	vadd.f32 v16, v17  }
0x111: {  	v17 =	vld.idx.msk [tilespmem:v51+s24+$0x0], $0xffff  }
0x112: {  	v56 =	vor.u32 v11, v18;
	v16 =	vadd.f32 v16, v52  }
0x113: {  	v57 =	vld.idx.msk [tilespmem:v53+s24+$0x0], $0xffff  }
0x114: {  	v58 =	vor.u32 v12, v18;
	v16 =	vadd.f32 v16, v54  }
0x115: {  	v59 =	vld.idx.msk [tilespmem:v55+s24+$0x0], $0xffff  }
0x116: {  	v60 =	vor.u32 v13, v18;
	v16 =	vadd.f32 v16, v17  }
0x117: {  	v17 =	vld.idx.msk [tilespmem:v56+s24+$0x0], $0xffff  }
0x118: {  	v61 =	vor.u32 v14, v18;
	v16 =	vadd.f32 v16, v57  }
0x119: {  	v62 =	vld.idx.msk [tilespmem:v58+s24+$0x0], $0xffff  }
0x11a: {  	v18 =	vor.u32 v15, v18;
	v16 =	vadd.f32 v16, v59  }
0x11b: {  	v63 =	vld.idx.msk [tilespmem:v60+s24+$0x0], $0xffff  }
0x11c: {  	v16 =	vadd.f32 v16, v17  }
0x11d: {  	v17 =	vld.idx.msk [tilespmem:v61+s24+$0x0], $0xffff  }
0x11e: {  	v16 =	vadd.f32 v16, v62  }
0x11f: {  	v18 =	vld.idx.msk [tilespmem:v18+s24+$0x0], $0xffff  }
0x120: {  	v16 =	vadd.f32 v16, v63;
	_ =	sdelay $0x1  }
0x121: {  	v16 =	vadd.f32 v16, v17;
	_ =	sdelay $0x1  }
0x122: {  	s28 =	sadd.s32 $0x1, s28;
	v16 =	vadd.f32 v16, v18  }
0x123: {  	p0 =	sne.s32 s28, s11;
	s1 =	sadd.s32 $0x10, s1  }
.Ltmp2:
0x124: {  	[tilespmem:s1+$0x0] =	vst v16;
	(pc) =	sbr.rel @p0 .LBB2_1-.Ltmp2, $4  }
0x125: {  	[hbm4b:s10+s2] =	stream.linear.scatter [tilespmem:s25], [sflag:$0x2], $0x200, $0x38;
	[tilespmem:$0xC610] =	vst v63  }
0x126: {  	_ =	swait.ge [sflag:s12], $0x200  }
0x127: {  	[sflag:s12] =	ssyncset.done $0x0  }
0x128: {  	[sflag:s12] =	ssyncadd.s32 $0xFFFFFE00  }
0x129: {  	_ =	sfence.sel $0x180000  }
0x12a: {  	[bflag:$0x0] =	sbarrier.arrive $0xFFFF  }
0x12b: {  	_ =	strace $0x90000047  }
0x12c: {  	s0 =	stileid.u32;
	[bflag:$0x2] =	sbarrier.arrive $0xFFFF  }
0x12d: {  	p0 =	sne.s32 s0, $0x0;
	s0 =	rddreg [dreg:$0x5]  }
0x12e: {  	s0 =	sadd.s32 @!p0 $0x100000, s0  }
0x12f: {  	[sflag:s0] =	ssyncadd.tile.s32 @!p0 $0x1;
	_ =	shalt  }
.Lfunc_end2:
_tile_overlayer_lowered:
.L_overlay_start_2:
0x130: {  	(tag) =	ssettag $0x2  }
0x131: {  	s0 =	rddreg [dreg:$0x0];
	s2 =	stileid.u32  }
0x132: {  	s1 =	rddreg [dreg:$0x1];
	p0 =	sne.s32 s2, $0x0  }
0x133: {  	s3 =	rddreg [dreg:$0x2];
	[bflag:$0x3] =	sbarrier.arrive $0xFFFF;
	s2 =	simm.s32 @!p0 $0x1C02  }
0x134: {  	[timem:s3], [sflag:s2] =	dma.local @!p0 [hbm:s0], s1  }
0x135: {  	s0 =	simm.s32 @!p0 $0x2  }
0x136: {  	_ =	swait.ge @!p0 [sflag:s0], s1  }
0x137: {  	s1 =	ssub.s32 @!p0 $0x0, s1;
	[sflag:s0] =	ssyncset.done @!p0 $0x0  }
0x138: {  	[sflag:s0] =	ssyncadd.s32 @!p0 s1  }
0x139: {  	[bflag:$0x3] =	sbarrier.arrive $0xFFFF  }
0x13a: {  	_ =	shalt  }

</sc_bundles>
